<compile_context>
chip_gen: v7x
topology: tpu7x:2x2x1
jax: 0.10.2.dev20260603
libtpu: 0.0.44.dev20260713+nightly
codegen_flags: <defaults>
</compile_context>

<pallas_src>
import functools

import jax
import jax.numpy as jnp
from jax import lax
from jax.experimental import pallas as pl
from jax.experimental.pallas import tpu as pltpu
from jax.experimental.pallas import tpu_sc as plsc

_B = 16384
_NF = 26
_NC = 13
_V = 100000
_D = 16
_WD = 128
_H1 = 256
_H2 = 128
_NCLS = 2
_DE = _NF * _D

_NCORES = 2
_NSUB = 16
_NW = _NCORES * _NSUB
_PPW = _DE // _NW
_BCH = 8192
_NBCH = _B // _BCH


_UNR = 16


def _sc_plane_gather_body(t2_hbm, idxT_hbm, out_hbm, plane_v, iv_v, ob_v):
    wid = lax.axis_index("s") * _NCORES + lax.axis_index("c")

    def plane_step(p, prev_f):
        plane = wid * _PPW + p
        f = plane // _D
        d = plane % _D

        @pl.when(f != prev_f)
        def _():
            pltpu.sync_copy(idxT_hbm.at[f, :], iv_v)

        pltpu.sync_copy(t2_hbm.at[f, d, :], plane_v)

        def bchunk(c, carry2):
            def step(i, carry3):
                base = i * (16 * _UNR)
                for j in range(_UNR):
                    o = base + j * 16
                    ivv = iv_v[pl.ds(c * _BCH + o, 16)]
                    ob_v[pl.ds(o, 16)] = plsc.load_gather(plane_v, [ivv])
                return carry3

            lax.fori_loop(0, _BCH // (16 * _UNR), step, 0)
            pltpu.sync_copy(ob_v, out_hbm.at[plane, pl.ds(c * _BCH, _BCH)])
            return carry2

        lax.fori_loop(0, _NBCH, bchunk, 0)
        return f

    lax.fori_loop(0, _PPW, plane_step, -1)


@functools.cache
def _sc_gather():
    return pl.kernel(
        _sc_plane_gather_body,
        out_type=jax.ShapeDtypeStruct((_DE, _B), jnp.float32),
        mesh=plsc.VectorSubcoreMesh(core_axis_name="c", subcore_axis_name="s",
                                    num_cores=_NCORES, num_subcores=_NSUB),
        scratch_types=[
            pltpu.VMEM((_V,), jnp.float32),
            pltpu.VMEM((_B,), jnp.int32),
            pltpu.VMEM((_BCH,), jnp.float32),
        ],
        compiler_params=pltpu.CompilerParams(use_tc_tiling_on_sc=True,
                                             needs_layout_passes=False),
    )


def _mlp_body(xdT_ref, embT_ref, xw_ref, w1aT_ref, w1eT_ref, rT_ref, b1_ref,
              w2T_ref, b2_ref, wdT_ref, wwT_ref, boT_ref, outT_ref):
    xdT = xdT_ref[...]
    contT = xdT[_NF:, :].astype(jnp.float32)
    maskT = (xdT[:_NF, :] == 0).astype(jnp.float32)
    cnegT = -jnp.dot(w1aT_ref[...], rT_ref[...],
                     preferred_element_type=jnp.float32)
    x1 = jnp.dot(w1aT_ref[...], embT_ref[...],
                 preferred_element_type=jnp.float32)
    x1 = x1 + jnp.dot(w1eT_ref[...], contT, preferred_element_type=jnp.float32)
    x1 = x1 + jnp.dot(cnegT, maskT, preferred_element_type=jnp.float32)
    x1 = jnp.maximum(x1 + b1_ref[...], 0.0)
    x2 = jnp.dot(w2T_ref[...], x1, preferred_element_type=jnp.float32)
    x2 = jnp.maximum(x2 + b2_ref[...], 0.0)
    o = jnp.dot(wdT_ref[...], x2, preferred_element_type=jnp.float32)
    o = o + jnp.dot(wwT_ref[...], xw_ref[...].T,
                    preferred_element_type=jnp.float32)
    outT_ref[...] = o + boT_ref[...]


_BM = 4096


def _mlp_call():
    full = lambda a, b: pl.BlockSpec((a, b), lambda i: (0, 0))
    return pl.pallas_call(
        _mlp_body,
        grid=(_B // _BM,),
        in_specs=[
            pl.BlockSpec((_NF + _NC, _BM), lambda i: (0, i)),
            pl.BlockSpec((_DE, _BM), lambda i: (0, i)),
            pl.BlockSpec((_BM, _WD), lambda i: (i, 0)),
            full(_H1, _DE),
            full(_H1, _NC),
            full(_DE, _NF),
            full(_H1, 1),
            full(_H2, _H1),
            full(_H2, 1),
            full(_NCLS, _H2),
            full(_NCLS, _WD),
            full(_NCLS, 1),
        ],
        out_specs=pl.BlockSpec((_NCLS, _BM), lambda i: (0, i)),
        out_shape=jax.ShapeDtypeStruct((_NCLS, _B), jnp.float32),
    )


def kernel(X_w, X_d, tables, W1, b1, W2, b2, Wout, bout):
    t2 = jnp.transpose(tables, (0, 2, 1))
    xdT = X_d.astype(jnp.int32).T
    embT = _sc_gather()(t2, xdT)

    rows0 = tables[:, 0, :]
    R = (jnp.eye(_NF, dtype=jnp.float32)[:, :, None]
         * rows0[:, None, :]).reshape(_NF, _DE)
    outT = _mlp_call()(
        xdT, embT, X_w.astype(jnp.float32),
        W1[:_DE].T, W1[_DE:].T, R.T,
        b1.reshape(_H1, 1), W2.T, b2.reshape(_H2, 1),
        Wout[:_H2].T, Wout[_H2:].T, bout.reshape(_NCLS, 1))
    return outT.T

# --- scband reference (transcript-rebuilt; emitter-appended) ---
"""Pipeline reference for scband-deep-wide-nn-12532714570102 (READ-ONLY COPY).

The authoritative reference and input builder live on the scoring server;
editing this copy changes nothing except your own understanding.
"""

import jax, jax.numpy as jnp
import numpy as np

B = 16384
NF = 26          # sparse embedding fields
NC = 13          # continuous cols
V = 100000       # vocab per field
D = 16           # embed dim
WD = 128         # wide_dim
H1 = 256
H2 = 128
NCLS = 2
DIN = NF * D + NC


def setup_inputs(seed: int = 0) -> dict:
    key = jax.random.key(seed)
    ks = jax.random.split(key, 8)
    X_w = jax.random.normal(ks[0], (B, WD), dtype=jnp.float32)
    X_d = jax.random.randint(ks[1], (B, NF + NC), 0, V, dtype=jnp.int32)
    # stacked embedding tables, one per sparse field (padding_idx=0 handled in reference)
    tables = jax.random.normal(ks[2], (NF, V, D), dtype=jnp.float32) * 0.01
    W1 = jax.random.normal(ks[3], (DIN, H1), dtype=jnp.float32) * 0.02
    b1 = jnp.zeros((H1,), dtype=jnp.float32)
    W2 = jax.random.normal(ks[4], (H1, H2), dtype=jnp.float32) * 0.02
    b2 = jnp.zeros((H2,), dtype=jnp.float32)
    Wout = jax.random.normal(ks[5], (H2 + WD, NCLS), dtype=jnp.float32) * 0.02
    bout = jnp.zeros((NCLS,), dtype=jnp.float32)
    return {"X_w": X_w, "X_d": X_d, "tables": tables,
            "W1": W1, "b1": b1, "W2": W2, "b2": b2,
            "Wout": Wout, "bout": bout}


def reference(X_w, X_d, tables, W1, b1, W2, b2, Wout, bout):
    # padding_idx=0: row 0 of each table is zero
    t = tables.at[:, 0, :].set(0.0)
    # per-field embedding lookup (gather)
    emb = [t[i][X_d[:, i]] for i in range(NF)]
    cont = X_d[:, NF:NF + NC].astype(jnp.float32)
    deep_inp = jnp.concatenate(emb + [cont], axis=1)  # [B, DIN]
    x_deep = jax.nn.relu(deep_inp @ W1 + b1)
    x_deep = jax.nn.relu(x_deep @ W2 + b2)
    wide_deep_input = jnp.concatenate([x_deep, X_w.astype(jnp.float32)], axis=1)
    out = wide_deep_input @ Wout + bout
    return out

if __name__ == "__main__":
    import jax
    _d = setup_inputs()
    print(jax.jit(kernel)(*tuple(_d.values())))

</pallas_src>

<mosaic_0001>
#map = affine_map<(d0, d1) -> (0, 0, 0)>
#map1 = affine_map<(d0, d1) -> (0, 0)>
module attributes {stable_mosaic.version = 14 : i64} {
  func.func @_sc_plane_gather_body(%arg0: i32, %arg1: i32, %arg2: memref<26x16x100000xf32, #tpu.memory_space<hbm>>, %arg3: memref<39x16384xi32, #tpu.memory_space<hbm>>, %arg4: memref<416x16384xf32, #tpu.memory_space<hbm>>, %arg5: memref<100000xf32, #tpu.memory_space<vmem>>, %arg6: memref<16384xi32, #tpu.memory_space<vmem>>, %arg7: memref<8192xf32, #tpu.memory_space<vmem>>) attributes {dimension_semantics = [#tpu.dimension_semantics<core_parallel>, #tpu.dimension_semantics<subcore_parallel>], iteration_bounds = array<i64: 2, 16>, scalar_prefetch = 0 : i64, scratch_operands = 3 : i64, tpu.core_type = #tpu.core_type<sc_vector_subcore>, window_params = [{transform_indices = #map}, {transform_indices = #map1}, {transform_indices = #map1}]} {
    %mul3A = arith.constant 2 : i32
    %mul3A_0 = arith.muli %arg1, %mul3A : i32
    %add3A = arith.addi %mul3A_0, %arg0 : i32
    %scan3A = arith.constant -1 : i32
    %scan3A_1 = arith.constant 0 : i32
    %scan3A_2 = arith.constant 13 : i32
    %scan3A_3 = arith.addi %scan3A_1, %scan3A_2 : i32
    %scan3A_4 = arith.constant 1 : i32
    %scan3A_5 = scf.for %scan3A_7 = %scan3A_1 to %scan3A_3 step %scan3A_4 iter_args(%scan3A_8 = %scan3A) -> (i32)  : i32 {
      %mul3A_9 = arith.constant 13 : i32
      %mul3A_10 = arith.muli %add3A, %mul3A_9 : i32
      %add3A_11 = arith.addi %mul3A_10, %scan3A_7 : i32
      %jit3A = arith.constant 16 : i32
      %div3A = arith.divsi %add3A_11, %jit3A : i32
      %sign3A = arith.constant 0 : i32
      %sign3A_12 = arith.cmpi sgt, %add3A_11, %sign3A : i32
      %sign3A_13 = arith.extui %sign3A_12 : i1 to i32
      %sign3A_14 = arith.constant 0 : i32
      %sign3A_15 = arith.cmpi slt, %add3A_11, %sign3A_14 : i32
      %sign3A_16 = arith.extui %sign3A_15 : i1 to i32
      %sign3A_17 = arith.subi %sign3A_13, %sign3A_16 : i32
      %sign3A_18 = arith.constant 0 : i32
      %sign3A_19 = arith.cmpi sgt, %jit3A, %sign3A_18 : i32
      %sign3A_20 = arith.extui %sign3A_19 : i1 to i32
      %sign3A_21 = arith.constant 0 : i32
      %sign3A_22 = arith.cmpi slt, %jit3A, %sign3A_21 : i32
      %sign3A_23 = arith.extui %sign3A_22 : i1 to i32
      %sign3A_24 = arith.subi %sign3A_20, %sign3A_23 : i32
      %ne3A = arith.cmpi ne, %sign3A_17, %sign3A_24 : i32
      %rem3A = arith.remsi %add3A_11, %jit3A : i32
      %ne3A_25 = arith.constant 0 : i32
      %ne3A_26 = arith.cmpi ne, %rem3A, %ne3A_25 : i32
      %and3A = arith.andi %ne3A, %ne3A_26 : i1
      %sub3A = arith.constant 1 : i32
      %sub3A_27 = arith.subi %div3A, %sub3A : i32
      %select_n3A = arith.select %and3A, %sub3A_27, %div3A : i32
      %jit3A_28 = arith.constant 16 : i32
      %eq3A = arith.constant 0 : i32
      %eq3A_29 = arith.cmpi eq, %jit3A_28, %eq3A : i32
      %jit3A_30 = arith.constant 1 : i32
      %select_n3A_31 = arith.select %eq3A_29, %jit3A_30, %jit3A_28 : i32
      %rem3A_32 = arith.remsi %add3A_11, %select_n3A_31 : i32
      %ne3A_33 = arith.constant 0 : i32
      %ne3A_34 = arith.cmpi ne, %rem3A_32, %ne3A_33 : i32
      %lt3A = arith.constant 0 : i32
      %lt3A_35 = arith.cmpi slt, %rem3A_32, %lt3A : i32
      %lt3A_36 = arith.constant 0 : i32
      %lt3A_37 = arith.cmpi slt, %select_n3A_31, %lt3A_36 : i32
      %ne3A_38 = arith.xori %lt3A_35, %lt3A_37 : i1
      %and3A_39 = arith.andi %ne3A_38, %ne3A_34 : i1
      %add3A_40 = arith.addi %rem3A_32, %select_n3A_31 : i32
      %select_n3A_41 = arith.select %and3A_39, %add3A_40, %rem3A_32 : i32
      %ne3A_42 = arith.cmpi ne, %select_n3A, %scan3A_8 : i32
      %convert_element_type3A = arith.extui %ne3A_42 : i1 to i32
      %cond3A = arith.constant 0 : i32
      %cond3A_43 = arith.cmpi ne, %convert_element_type3A, %cond3A : i32
      scf.if %cond3A_43 {
        "tpu.region"() ({
          %run_scoped3A = tpu.sem_alloc : memref<!tpu.dma_semaphore, #tpu.memory_space<semaphore_mem>>
          %dma_start3A = arith.constant 0 : i32
          %dma_start3A_50 = tpu.memref_slice %arg3[%select_n3A, %dma_start3A] : memref<39x16384xi32, #tpu.memory_space<hbm>> -> memref<1x16384xi32, #tpu.memory_space<hbm>>
          %dma_start3A_51 = tpu.memref_squeeze %dma_start3A_50 : memref<1x16384xi32, #tpu.memory_space<hbm>> -> memref<16384xi32, #tpu.memory_space<hbm>>
          %dma_start3A_52 = arith.constant 0 : i32
          %dma_start3A_53 = tpu.memref_slice %arg3[%select_n3A, %dma_start3A_52] : memref<39x16384xi32, #tpu.memory_space<hbm>> -> memref<1x16384xi32, #tpu.memory_space<hbm>>
          %dma_start3A_54 = tpu.memref_squeeze %dma_start3A_53 : memref<1x16384xi32, #tpu.memory_space<hbm>> -> memref<16384xi32, #tpu.memory_space<hbm>>
          tpu.enqueue_dma source(%dma_start3A_54 : memref<16384xi32, #tpu.memory_space<hbm>>) target(%arg6 : memref<16384xi32, #tpu.memory_space<vmem>>) target_semaphore(%run_scoped3A : memref<!tpu.dma_semaphore, #tpu.memory_space<semaphore_mem>>)
          %dma_wait3A = arith.constant 0 : i32
          %dma_wait3A_55 = tpu.memref_slice %arg3[%select_n3A, %dma_wait3A] : memref<39x16384xi32, #tpu.memory_space<hbm>> -> memref<1x16384xi32, #tpu.memory_space<hbm>>
          %dma_wait3A_56 = tpu.memref_squeeze %dma_wait3A_55 : memref<1x16384xi32, #tpu.memory_space<hbm>> -> memref<16384xi32, #tpu.memory_space<hbm>>
          %dma_wait3A_57 = arith.constant 0 : i32
          %dma_wait3A_58 = tpu.memref_slice %arg3[%select_n3A, %dma_wait3A_57] : memref<39x16384xi32, #tpu.memory_space<hbm>> -> memref<1x16384xi32, #tpu.memory_space<hbm>>
          %dma_wait3A_59 = tpu.memref_squeeze %dma_wait3A_58 : memref<1x16384xi32, #tpu.memory_space<hbm>> -> memref<16384xi32, #tpu.memory_space<hbm>>
          tpu.wait_dma2 semaphore(%run_scoped3A : memref<!tpu.dma_semaphore, #tpu.memory_space<semaphore_mem>>) src(%dma_wait3A_59 : memref<16384xi32, #tpu.memory_space<hbm>>) dst(%arg6 : memref<16384xi32, #tpu.memory_space<vmem>>)
          tpu.yield
        }) : () -> ()
      } else {
      }
      "tpu.region"() ({
        %run_scoped3A = tpu.sem_alloc : memref<!tpu.dma_semaphore, #tpu.memory_space<semaphore_mem>>
        %dma_start3A = arith.constant 0 : i32
        %dma_start3A_50 = tpu.memref_slice %arg2[%select_n3A, %select_n3A_41, %dma_start3A] : memref<26x16x100000xf32, #tpu.memory_space<hbm>> -> memref<1x1x100000xf32, #tpu.memory_space<hbm>>
        %dma_start3A_51 = tpu.memref_squeeze %dma_start3A_50 : memref<1x1x100000xf32, #tpu.memory_space<hbm>> -> memref<100000xf32, #tpu.memory_space<hbm>>
        %dma_start3A_52 = arith.constant 0 : i32
        %dma_start3A_53 = tpu.memref_slice %arg2[%select_n3A, %select_n3A_41, %dma_start3A_52] : memref<26x16x100000xf32, #tpu.memory_space<hbm>> -> memref<1x1x100000xf32, #tpu.memory_space<hbm>>
        %dma_start3A_54 = tpu.memref_squeeze %dma_start3A_53 : memref<1x1x100000xf32, #tpu.memory_space<hbm>> -> memref<100000xf32, #tpu.memory_space<hbm>>
        tpu.enqueue_dma source(%dma_start3A_54 : memref<100000xf32, #tpu.memory_space<hbm>>) target(%arg5 : memref<100000xf32, #tpu.memory_space<vmem>>) target_semaphore(%run_scoped3A : memref<!tpu.dma_semaphore, #tpu.memory_space<semaphore_mem>>)
        %dma_wait3A = arith.constant 0 : i32
        %dma_wait3A_55 = tpu.memref_slice %arg2[%select_n3A, %select_n3A_41, %dma_wait3A] : memref<26x16x100000xf32, #tpu.memory_space<hbm>> -> memref<1x1x100000xf32, #tpu.memory_space<hbm>>
        %dma_wait3A_56 = tpu.memref_squeeze %dma_wait3A_55 : memref<1x1x100000xf32, #tpu.memory_space<hbm>> -> memref<100000xf32, #tpu.memory_space<hbm>>
        %dma_wait3A_57 = arith.constant 0 : i32
        %dma_wait3A_58 = tpu.memref_slice %arg2[%select_n3A, %select_n3A_41, %dma_wait3A_57] : memref<26x16x100000xf32, #tpu.memory_space<hbm>> -> memref<1x1x100000xf32, #tpu.memory_space<hbm>>
        %dma_wait3A_59 = tpu.memref_squeeze %dma_wait3A_58 : memref<1x1x100000xf32, #tpu.memory_space<hbm>> -> memref<100000xf32, #tpu.memory_space<hbm>>
        tpu.wait_dma2 semaphore(%run_scoped3A : memref<!tpu.dma_semaphore, #tpu.memory_space<semaphore_mem>>) src(%dma_wait3A_59 : memref<100000xf32, #tpu.memory_space<hbm>>) dst(%arg5 : memref<100000xf32, #tpu.memory_space<vmem>>)
        tpu.yield
      }) : () -> ()
      %scan3A_44 = arith.constant 0 : i32
      %scan3A_45 = arith.constant 0 : i32
      %scan3A_46 = arith.constant 2 : i32
      %scan3A_47 = arith.addi %scan3A_45, %scan3A_46 : i32
      %scan3A_48 = arith.constant 1 : i32
      scf.for %scan3A_50 = %scan3A_45 to %scan3A_47 step %scan3A_48  : i32 {
        %scan3A_51 = arith.constant 0 : i32
        %scan3A_52 = arith.constant 0 : i32
        %scan3A_53 = arith.constant 32 : i32
        %scan3A_54 = arith.addi %scan3A_52, %scan3A_53 : i32
        %scan3A_55 = arith.constant 1 : i32
        scf.for %scan3A_59 = %scan3A_52 to %scan3A_54 step %scan3A_55  : i32 {
          %mul3A_60 = arith.constant 256 : i32
          %mul3A_61 = arith.muli %scan3A_59, %mul3A_60 : i32
          %add3A_62 = arith.constant 0 : i32
          %add3A_63 = arith.addi %mul3A_61, %add3A_62 : i32
          %mul3A_64 = arith.constant 8192 : i32
          %mul3A_65 = arith.muli %scan3A_50, %mul3A_64 : i32
          %add3A_66 = arith.addi %mul3A_65, %add3A_63 : i32
          %get3A = arith.index_cast %add3A_66 : i32 to index
          %get3A_67 = tpu.vector_load %arg6[%get3A] {strides = array<i32>} : memref<16384xi32, #tpu.memory_space<vmem>>, vector<16xi32>,
          %gather3A = tpu.vector_load_idx %arg5[%get3A_67] : memref<100000xf32, #tpu.memory_space<vmem>>[vector<16xi32>], vector<16xf32>,
          %swap3A = arith.index_cast %add3A_63 : i32 to index
          %swap3A_68 = tpu.vector_load %arg7[%swap3A] {strides = array<i32>} : memref<8192xf32, #tpu.memory_space<vmem>>, vector<16xf32>,
          tpu.vector_store %arg7[%swap3A], %gather3A {strides = array<i32>} : memref<8192xf32, #tpu.memory_space<vmem>>, vector<16xf32>,
          %add3A_69 = arith.constant 16 : i32
          %add3A_70 = arith.addi %mul3A_61, %add3A_69 : i32
          %mul3A_71 = arith.constant 8192 : i32
          %mul3A_72 = arith.muli %scan3A_50, %mul3A_71 : i32
          %add3A_73 = arith.addi %mul3A_72, %add3A_70 : i32
          %get3A_74 = arith.index_cast %add3A_73 : i32 to index
          %get3A_75 = tpu.vector_load %arg6[%get3A_74] {strides = array<i32>} : memref<16384xi32, #tpu.memory_space<vmem>>, vector<16xi32>,
          %gather3A_76 = tpu.vector_load_idx %arg5[%get3A_75] : memref<100000xf32, #tpu.memory_space<vmem>>[vector<16xi32>], vector<16xf32>,
          %swap3A_77 = arith.index_cast %add3A_70 : i32 to index
          %swap3A_78 = tpu.vector_load %arg7[%swap3A_77] {strides = array<i32>} : memref<8192xf32, #tpu.memory_space<vmem>>, vector<16xf32>,
          tpu.vector_store %arg7[%swap3A_77], %gather3A_76 {strides = array<i32>} : memref<8192xf32, #tpu.memory_space<vmem>>, vector<16xf32>,
          %add3A_79 = arith.constant 32 : i32
          %add3A_80 = arith.addi %mul3A_61, %add3A_79 : i32
          %mul3A_81 = arith.constant 8192 : i32
          %mul3A_82 = arith.muli %scan3A_50, %mul3A_81 : i32
          %add3A_83 = arith.addi %mul3A_82, %add3A_80 : i32
          %get3A_84 = arith.index_cast %add3A_83 : i32 to index
          %get3A_85 = tpu.vector_load %arg6[%get3A_84] {strides = array<i32>} : memref<16384xi32, #tpu.memory_space<vmem>>, vector<16xi32>,
          %gather3A_86 = tpu.vector_load_idx %arg5[%get3A_85] : memref<100000xf32, #tpu.memory_space<vmem>>[vector<16xi32>], vector<16xf32>,
          %swap3A_87 = arith.index_cast %add3A_80 : i32 to index
          %swap3A_88 = tpu.vector_load %arg7[%swap3A_87] {strides = array<i32>} : memref<8192xf32, #tpu.memory_space<vmem>>, vector<16xf32>,
          tpu.vector_store %arg7[%swap3A_87], %gather3A_86 {strides = array<i32>} : memref<8192xf32, #tpu.memory_space<vmem>>, vector<16xf32>,
          %add3A_89 = arith.constant 48 : i32
          %add3A_90 = arith.addi %mul3A_61, %add3A_89 : i32
          %mul3A_91 = arith.constant 8192 : i32
          %mul3A_92 = arith.muli %scan3A_50, %mul3A_91 : i32
          %add3A_93 = arith.addi %mul3A_92, %add3A_90 : i32
          %get3A_94 = arith.index_cast %add3A_93 : i32 to index
          %get3A_95 = tpu.vector_load %arg6[%get3A_94] {strides = array<i32>} : memref<16384xi32, #tpu.memory_space<vmem>>, vector<16xi32>,
          %gather3A_96 = tpu.vector_load_idx %arg5[%get3A_95] : memref<100000xf32, #tpu.memory_space<vmem>>[vector<16xi32>], vector<16xf32>,
          %swap3A_97 = arith.index_cast %add3A_90 : i32 to index
          %swap3A_98 = tpu.vector_load %arg7[%swap3A_97] {strides = array<i32>} : memref<8192xf32, #tpu.memory_space<vmem>>, vector<16xf32>,
          tpu.vector_store %arg7[%swap3A_97], %gather3A_96 {strides = array<i32>} : memref<8192xf32, #tpu.memory_space<vmem>>, vector<16xf32>,
          %add3A_99 = arith.constant 64 : i32
          %add3A_100 = arith.addi %mul3A_61, %add3A_99 : i32
          %mul3A_101 = arith.constant 8192 : i32
          %mul3A_102 = arith.muli %scan3A_50, %mul3A_101 : i32
          %add3A_103 = arith.addi %mul3A_102, %add3A_100 : i32
          %get3A_104 = arith.index_cast %add3A_103 : i32 to index
          %get3A_105 = tpu.vector_load %arg6[%get3A_104] {strides = array<i32>} : memref<16384xi32, #tpu.memory_space<vmem>>, vector<16xi32>,
          %gather3A_106 = tpu.vector_load_idx %arg5[%get3A_105] : memref<100000xf32, #tpu.memory_space<vmem>>[vector<16xi32>], vector<16xf32>,
          %swap3A_107 = arith.index_cast %add3A_100 : i32 to index
          %swap3A_108 = tpu.vector_load %arg7[%swap3A_107] {strides = array<i32>} : memref<8192xf32, #tpu.memory_space<vmem>>, vector<16xf32>,
          tpu.vector_store %arg7[%swap3A_107], %gather3A_106 {strides = array<i32>} : memref<8192xf32, #tpu.memory_space<vmem>>, vector<16xf32>,
          %add3A_109 = arith.constant 80 : i32
          %add3A_110 = arith.addi %mul3A_61, %add3A_109 : i32
          %mul3A_111 = arith.constant 8192 : i32
          %mul3A_112 = arith.muli %scan3A_50, %mul3A_111 : i32
          %add3A_113 = arith.addi %mul3A_112, %add3A_110 : i32
          %get3A_114 = arith.index_cast %add3A_113 : i32 to index
          %get3A_115 = tpu.vector_load %arg6[%get3A_114] {strides = array<i32>} : memref<16384xi32, #tpu.memory_space<vmem>>, vector<16xi32>,
          %gather3A_116 = tpu.vector_load_idx %arg5[%get3A_115] : memref<100000xf32, #tpu.memory_space<vmem>>[vector<16xi32>], vector<16xf32>,
          %swap3A_117 = arith.index_cast %add3A_110 : i32 to index
          %swap3A_118 = tpu.vector_load %arg7[%swap3A_117] {strides = array<i32>} : memref<8192xf32, #tpu.memory_space<vmem>>, vector<16xf32>,
          tpu.vector_store %arg7[%swap3A_117], %gather3A_116 {strides = array<i32>} : memref<8192xf32, #tpu.memory_space<vmem>>, vector<16xf32>,
          %add3A_119 = arith.constant 96 : i32
          %add3A_120 = arith.addi %mul3A_61, %add3A_119 : i32
          %mul3A_121 = arith.constant 8192 : i32
          %mul3A_122 = arith.muli %scan3A_50, %mul3A_121 : i32
          %add3A_123 = arith.addi %mul3A_122, %add3A_120 : i32
          %get3A_124 = arith.index_cast %add3A_123 : i32 to index
          %get3A_125 = tpu.vector_load %arg6[%get3A_124] {strides = array<i32>} : memref<16384xi32, #tpu.memory_space<vmem>>, vector<16xi32>,
          %gather3A_126 = tpu.vector_load_idx %arg5[%get3A_125] : memref<100000xf32, #tpu.memory_space<vmem>>[vector<16xi32>], vector<16xf32>,
          %swap3A_127 = arith.index_cast %add3A_120 : i32 to index
          %swap3A_128 = tpu.vector_load %arg7[%swap3A_127] {strides = array<i32>} : memref<8192xf32, #tpu.memory_space<vmem>>, vector<16xf32>,
          tpu.vector_store %arg7[%swap3A_127], %gather3A_126 {strides = array<i32>} : memref<8192xf32, #tpu.memory_space<vmem>>, vector<16xf32>,
          %add3A_129 = arith.constant 112 : i32
          %add3A_130 = arith.addi %mul3A_61, %add3A_129 : i32
          %mul3A_131 = arith.constant 8192 : i32
          %mul3A_132 = arith.muli %scan3A_50, %mul3A_131 : i32
          %add3A_133 = arith.addi %mul3A_132, %add3A_130 : i32
          %get3A_134 = arith.index_cast %add3A_133 : i32 to index
          %get3A_135 = tpu.vector_load %arg6[%get3A_134] {strides = array<i32>} : memref<16384xi32, #tpu.memory_space<vmem>>, vector<16xi32>,
          %gather3A_136 = tpu.vector_load_idx %arg5[%get3A_135] : memref<100000xf32, #tpu.memory_space<vmem>>[vector<16xi32>], vector<16xf32>,
          %swap3A_137 = arith.index_cast %add3A_130 : i32 to index
          %swap3A_138 = tpu.vector_load %arg7[%swap3A_137] {strides = array<i32>} : memref<8192xf32, #tpu.memory_space<vmem>>, vector<16xf32>,
          tpu.vector_store %arg7[%swap3A_137], %gather3A_136 {strides = array<i32>} : memref<8192xf32, #tpu.memory_space<vmem>>, vector<16xf32>,
          %add3A_139 = arith.constant 128 : i32
          %add3A_140 = arith.addi %mul3A_61, %add3A_139 : i32
          %mul3A_141 = arith.constant 8192 : i32
          %mul3A_142 = arith.muli %scan3A_50, %mul3A_141 : i32
          %add3A_143 = arith.addi %mul3A_142, %add3A_140 : i32
          %get3A_144 = arith.index_cast %add3A_143 : i32 to index
          %get3A_145 = tpu.vector_load %arg6[%get3A_144] {strides = array<i32>} : memref<16384xi32, #tpu.memory_space<vmem>>, vector<16xi32>,
          %gather3A_146 = tpu.vector_load_idx %arg5[%get3A_145] : memref<100000xf32, #tpu.memory_space<vmem>>[vector<16xi32>], vector<16xf32>,
          %swap3A_147 = arith.index_cast %add3A_140 : i32 to index
          %swap3A_148 = tpu.vector_load %arg7[%swap3A_147] {strides = array<i32>} : memref<8192xf32, #tpu.memory_space<vmem>>, vector<16xf32>,
          tpu.vector_store %arg7[%swap3A_147], %gather3A_146 {strides = array<i32>} : memref<8192xf32, #tpu.memory_space<vmem>>, vector<16xf32>,
          %add3A_149 = arith.constant 144 : i32
          %add3A_150 = arith.addi %mul3A_61, %add3A_149 : i32
          %mul3A_151 = arith.constant 8192 : i32
          %mul3A_152 = arith.muli %scan3A_50, %mul3A_151 : i32
          %add3A_153 = arith.addi %mul3A_152, %add3A_150 : i32
          %get3A_154 = arith.index_cast %add3A_153 : i32 to index
          %get3A_155 = tpu.vector_load %arg6[%get3A_154] {strides = array<i32>} : memref<16384xi32, #tpu.memory_space<vmem>>, vector<16xi32>,
          %gather3A_156 = tpu.vector_load_idx %arg5[%get3A_155] : memref<100000xf32, #tpu.memory_space<vmem>>[vector<16xi32>], vector<16xf32>,
          %swap3A_157 = arith.index_cast %add3A_150 : i32 to index
          %swap3A_158 = tpu.vector_load %arg7[%swap3A_157] {strides = array<i32>} : memref<8192xf32, #tpu.memory_space<vmem>>, vector<16xf32>,
          tpu.vector_store %arg7[%swap3A_157], %gather3A_156 {strides = array<i32>} : memref<8192xf32, #tpu.memory_space<vmem>>, vector<16xf32>,
          %add3A_159 = arith.constant 160 : i32
          %add3A_160 = arith.addi %mul3A_61, %add3A_159 : i32
          %mul3A_161 = arith.constant 8192 : i32
          %mul3A_162 = arith.muli %scan3A_50, %mul3A_161 : i32
          %add3A_163 = arith.addi %mul3A_162, %add3A_160 : i32
          %get3A_164 = arith.index_cast %add3A_163 : i32 to index
          %get3A_165 = tpu.vector_load %arg6[%get3A_164] {strides = array<i32>} : memref<16384xi32, #tpu.memory_space<vmem>>, vector<16xi32>,
          %gather3A_166 = tpu.vector_load_idx %arg5[%get3A_165] : memref<100000xf32, #tpu.memory_space<vmem>>[vector<16xi32>], vector<16xf32>,
          %swap3A_167 = arith.index_cast %add3A_160 : i32 to index
          %swap3A_168 = tpu.vector_load %arg7[%swap3A_167] {strides = array<i32>} : memref<8192xf32, #tpu.memory_space<vmem>>, vector<16xf32>,
          tpu.vector_store %arg7[%swap3A_167], %gather3A_166 {strides = array<i32>} : memref<8192xf32, #tpu.memory_space<vmem>>, vector<16xf32>,
          %add3A_169 = arith.constant 176 : i32
          %add3A_170 = arith.addi %mul3A_61, %add3A_169 : i32
          %mul3A_171 = arith.constant 8192 : i32
          %mul3A_172 = arith.muli %scan3A_50, %mul3A_171 : i32
          %add3A_173 = arith.addi %mul3A_172, %add3A_170 : i32
          %get3A_174 = arith.index_cast %add3A_173 : i32 to index
          %get3A_175 = tpu.vector_load %arg6[%get3A_174] {strides = array<i32>} : memref<16384xi32, #tpu.memory_space<vmem>>, vector<16xi32>,
          %gather3A_176 = tpu.vector_load_idx %arg5[%get3A_175] : memref<100000xf32, #tpu.memory_space<vmem>>[vector<16xi32>], vector<16xf32>,
          %swap3A_177 = arith.index_cast %add3A_170 : i32 to index
          %swap3A_178 = tpu.vector_load %arg7[%swap3A_177] {strides = array<i32>} : memref<8192xf32, #tpu.memory_space<vmem>>, vector<16xf32>,
          tpu.vector_store %arg7[%swap3A_177], %gather3A_176 {strides = array<i32>} : memref<8192xf32, #tpu.memory_space<vmem>>, vector<16xf32>,
          %add3A_179 = arith.constant 192 : i32
          %add3A_180 = arith.addi %mul3A_61, %add3A_179 : i32
          %mul3A_181 = arith.constant 8192 : i32
          %mul3A_182 = arith.muli %scan3A_50, %mul3A_181 : i32
          %add3A_183 = arith.addi %mul3A_182, %add3A_180 : i32
          %get3A_184 = arith.index_cast %add3A_183 : i32 to index
          %get3A_185 = tpu.vector_load %arg6[%get3A_184] {strides = array<i32>} : memref<16384xi32, #tpu.memory_space<vmem>>, vector<16xi32>,
          %gather3A_186 = tpu.vector_load_idx %arg5[%get3A_185] : memref<100000xf32, #tpu.memory_space<vmem>>[vector<16xi32>], vector<16xf32>,
          %swap3A_187 = arith.index_cast %add3A_180 : i32 to index
          %swap3A_188 = tpu.vector_load %arg7[%swap3A_187] {strides = array<i32>} : memref<8192xf32, #tpu.memory_space<vmem>>, vector<16xf32>,
          tpu.vector_store %arg7[%swap3A_187], %gather3A_186 {strides = array<i32>} : memref<8192xf32, #tpu.memory_space<vmem>>, vector<16xf32>,
          %add3A_189 = arith.constant 208 : i32
          %add3A_190 = arith.addi %mul3A_61, %add3A_189 : i32
          %mul3A_191 = arith.constant 8192 : i32
          %mul3A_192 = arith.muli %scan3A_50, %mul3A_191 : i32
          %add3A_193 = arith.addi %mul3A_192, %add3A_190 : i32
          %get3A_194 = arith.index_cast %add3A_193 : i32 to index
          %get3A_195 = tpu.vector_load %arg6[%get3A_194] {strides = array<i32>} : memref<16384xi32, #tpu.memory_space<vmem>>, vector<16xi32>,
          %gather3A_196 = tpu.vector_load_idx %arg5[%get3A_195] : memref<100000xf32, #tpu.memory_space<vmem>>[vector<16xi32>], vector<16xf32>,
          %swap3A_197 = arith.index_cast %add3A_190 : i32 to index
          %swap3A_198 = tpu.vector_load %arg7[%swap3A_197] {strides = array<i32>} : memref<8192xf32, #tpu.memory_space<vmem>>, vector<16xf32>,
          tpu.vector_store %arg7[%swap3A_197], %gather3A_196 {strides = array<i32>} : memref<8192xf32, #tpu.memory_space<vmem>>, vector<16xf32>,
          %add3A_199 = arith.constant 224 : i32
          %add3A_200 = arith.addi %mul3A_61, %add3A_199 : i32
          %mul3A_201 = arith.constant 8192 : i32
          %mul3A_202 = arith.muli %scan3A_50, %mul3A_201 : i32
          %add3A_203 = arith.addi %mul3A_202, %add3A_200 : i32
          %get3A_204 = arith.index_cast %add3A_203 : i32 to index
          %get3A_205 = tpu.vector_load %arg6[%get3A_204] {strides = array<i32>} : memref<16384xi32, #tpu.memory_space<vmem>>, vector<16xi32>,
          %gather3A_206 = tpu.vector_load_idx %arg5[%get3A_205] : memref<100000xf32, #tpu.memory_space<vmem>>[vector<16xi32>], vector<16xf32>,
          %swap3A_207 = arith.index_cast %add3A_200 : i32 to index
          %swap3A_208 = tpu.vector_load %arg7[%swap3A_207] {strides = array<i32>} : memref<8192xf32, #tpu.memory_space<vmem>>, vector<16xf32>,
          tpu.vector_store %arg7[%swap3A_207], %gather3A_206 {strides = array<i32>} : memref<8192xf32, #tpu.memory_space<vmem>>, vector<16xf32>,
          %add3A_209 = arith.constant 240 : i32
          %add3A_210 = arith.addi %mul3A_61, %add3A_209 : i32
          %mul3A_211 = arith.constant 8192 : i32
          %mul3A_212 = arith.muli %scan3A_50, %mul3A_211 : i32
          %add3A_213 = arith.addi %mul3A_212, %add3A_210 : i32
          %get3A_214 = arith.index_cast %add3A_213 : i32 to index
          %get3A_215 = tpu.vector_load %arg6[%get3A_214] {strides = array<i32>} : memref<16384xi32, #tpu.memory_space<vmem>>, vector<16xi32>,
          %gather3A_216 = tpu.vector_load_idx %arg5[%get3A_215] : memref<100000xf32, #tpu.memory_space<vmem>>[vector<16xi32>], vector<16xf32>,
          %swap3A_217 = arith.index_cast %add3A_210 : i32 to index
          %swap3A_218 = tpu.vector_load %arg7[%swap3A_217] {strides = array<i32>} : memref<8192xf32, #tpu.memory_space<vmem>>, vector<16xf32>,
          tpu.vector_store %arg7[%swap3A_217], %gather3A_216 {strides = array<i32>} : memref<8192xf32, #tpu.memory_space<vmem>>, vector<16xf32>,
        }
        %scan3A_56 = arith.constant 32 : i32
        %mul3A_57 = arith.constant 8192 : i32
        %mul3A_58 = arith.muli %scan3A_50, %mul3A_57 : i32
        "tpu.region"() ({
          %run_scoped3A = tpu.sem_alloc : memref<!tpu.dma_semaphore, #tpu.memory_space<semaphore_mem>>
          %dma_start3A = tpu.memref_slice %arg4[%add3A_11, %mul3A_58] : memref<416x16384xf32, #tpu.memory_space<hbm>> -> memref<1x8192xf32, #tpu.memory_space<hbm>>
          %dma_start3A_59 = tpu.memref_squeeze %dma_start3A : memref<1x8192xf32, #tpu.memory_space<hbm>> -> memref<8192xf32, #tpu.memory_space<hbm>>
          %dma_start3A_60 = tpu.memref_slice %arg4[%add3A_11, %mul3A_58] : memref<416x16384xf32, #tpu.memory_space<hbm>> -> memref<1x8192xf32, #tpu.memory_space<hbm>>
          %dma_start3A_61 = tpu.memref_squeeze %dma_start3A_60 : memref<1x8192xf32, #tpu.memory_space<hbm>> -> memref<8192xf32, #tpu.memory_space<hbm>>
          tpu.enqueue_dma source(%arg7 : memref<8192xf32, #tpu.memory_space<vmem>>) target(%dma_start3A_61 : memref<8192xf32, #tpu.memory_space<hbm>>) target_semaphore(%run_scoped3A : memref<!tpu.dma_semaphore, #tpu.memory_space<semaphore_mem>>)
          %dma_wait3A = tpu.memref_slice %arg4[%add3A_11, %mul3A_58] : memref<416x16384xf32, #tpu.memory_space<hbm>> -> memref<1x8192xf32, #tpu.memory_space<hbm>>
          %dma_wait3A_62 = tpu.memref_squeeze %dma_wait3A : memref<1x8192xf32, #tpu.memory_space<hbm>> -> memref<8192xf32, #tpu.memory_space<hbm>>
          %dma_wait3A_63 = tpu.memref_slice %arg4[%add3A_11, %mul3A_58] : memref<416x16384xf32, #tpu.memory_space<hbm>> -> memref<1x8192xf32, #tpu.memory_space<hbm>>
          %dma_wait3A_64 = tpu.memref_squeeze %dma_wait3A_63 : memref<1x8192xf32, #tpu.memory_space<hbm>> -> memref<8192xf32, #tpu.memory_space<hbm>>
          tpu.wait_dma2 semaphore(%run_scoped3A : memref<!tpu.dma_semaphore, #tpu.memory_space<semaphore_mem>>) src(%arg7 : memref<8192xf32, #tpu.memory_space<vmem>>) dst(%dma_wait3A_64 : memref<8192xf32, #tpu.memory_space<hbm>>)
          tpu.yield
        }) : () -> ()
      }
      %scan3A_49 = arith.constant 2 : i32
      scf.yield %select_n3A : i32
    }
    %scan3A_6 = arith.constant 13 : i32
    return
  }
}

module attributes {stable_mosaic.version = 14 : i64} {
  func.func @_mlp_body(%arg0: i32, %arg1: memref<39x4096xi32, #tpu.memory_space<vmem>>, %arg2: memref<416x4096xf32, #tpu.memory_space<vmem>>, %arg3: memref<4096x128xf32, #tpu.memory_space<vmem>>, %arg4: memref<256x416xf32, #tpu.memory_space<vmem>>, %arg5: memref<256x13xf32, #tpu.memory_space<vmem>>, %arg6: memref<416x26xf32, #tpu.memory_space<vmem>>, %arg7: memref<256x1xf32, #tpu.memory_space<vmem>>, %arg8: memref<128x256xf32, #tpu.memory_space<vmem>>, %arg9: memref<128x1xf32, #tpu.memory_space<vmem>>, %arg10: memref<2x128xf32, #tpu.memory_space<vmem>>, %arg11: memref<2x128xf32, #tpu.memory_space<vmem>>, %arg12: memref<2x1xf32, #tpu.memory_space<vmem>>, %arg13: memref<2x4096xf32, #tpu.memory_space<vmem>>) attributes {dimension_semantics = [#tpu.dimension_semantics<arbitrary>], iteration_bounds = array<i64: 4>, scalar_prefetch = 0 : i64, scratch_operands = 0 : i64, tpu.core_type = #tpu.core_type<tc>, window_params = [{transform_indices = @transform_0, window_bounds = array<i64: 39, 4096>}, {transform_indices = @transform_1, window_bounds = array<i64: 416, 4096>}, {transform_indices = @transform_2, window_bounds = array<i64: 4096, 128>}, {pipeline_mode = #tpu.pipeline_mode<synchronous>, transform_indices = @transform_3, window_bounds = array<i64: 256, 416>}, {pipeline_mode = #tpu.pipeline_mode<synchronous>, transform_indices = @transform_4, window_bounds = array<i64: 256, 13>}, {pipeline_mode = #tpu.pipeline_mode<synchronous>, transform_indices = @transform_5, window_bounds = array<i64: 416, 26>}, {pipeline_mode = #tpu.pipeline_mode<synchronous>, transform_indices = @transform_6, window_bounds = array<i64: 256, 1>}, {pipeline_mode = #tpu.pipeline_mode<synchronous>, transform_indices = @transform_7, window_bounds = array<i64: 128, 256>}, {pipeline_mode = #tpu.pipeline_mode<synchronous>, transform_indices = @transform_8, window_bounds = array<i64: 128, 1>}, {pipeline_mode = #tpu.pipeline_mode<synchronous>, transform_indices = @transform_9, window_bounds = array<i64: 2, 128>}, {pipeline_mode = #tpu.pipeline_mode<synchronous>, transform_indices = @transform_10, window_bounds = array<i64: 2, 128>}, {pipeline_mode = #tpu.pipeline_mode<synchronous>, transform_indices = @transform_11, window_bounds = array<i64: 2, 1>}, {transform_indices = @transform_12, window_bounds = array<i64: 2, 4096>}]} {
    %get3A = arith.constant 0 : index
    %get3A_0 = arith.constant 0 : index
    %get3A_1 = vector.load %arg1[%get3A, %get3A_0] : memref<39x4096xi32, #tpu.memory_space<vmem>>, vector<39x4096xi32>
    %slice3A = vector.extract_strided_slice %get3A_1 {offsets = [26, 0], sizes = [13, 4096], strides = [1, 1]} : vector<39x4096xi32> to vector<13x4096xi32>
    %convert_element_type3A = arith.sitofp %slice3A : vector<13x4096xi32> to vector<13x4096xf32>
    %slice3A_2 = vector.extract_strided_slice %get3A_1 {offsets = [0, 0], sizes = [26, 4096], strides = [1, 1]} : vector<39x4096xi32> to vector<26x4096xi32>
    %eq3A = arith.constant 0 : i32
    %eq3A_3 = vector.broadcast %eq3A : i32 to vector<26x4096xi32>
    %eq3A_4 = arith.cmpi eq, %slice3A_2, %eq3A_3 : vector<26x4096xi32>
    %convert_element_type3A_5 = arith.extui %eq3A_4 : vector<26x4096xi1> to vector<26x4096xi32>
    %convert_element_type3A_6 = arith.sitofp %convert_element_type3A_5 : vector<26x4096xi32> to vector<26x4096xf32>
    %get3A_7 = arith.constant 0 : index
    %get3A_8 = arith.constant 0 : index
    %get3A_9 = vector.load %arg4[%get3A_7, %get3A_8] : memref<256x416xf32, #tpu.memory_space<vmem>>, vector<256x416xf32>
    %get3A_10 = arith.constant 0 : index
    %get3A_11 = arith.constant 0 : index
    %get3A_12 = vector.load %arg6[%get3A_10, %get3A_11] : memref<416x26xf32, #tpu.memory_space<vmem>>, vector<416x26xf32>
    %dot_general3A = arith.constant dense<0.000000e+00> : vector<256x26xf32>
    %dot_general3A_13 = tpu.matmul %get3A_9, %get3A_12, %dot_general3A {dimension_numbers = #tpu.dot_dimension_numbers<[1], [0], [0], [1], [0, 0, 1, 1], [], []>, transpose_lhs_hint = false} : vector<256x416xf32>, vector<416x26xf32>, vector<256x26xf32> -> vector<256x26xf32>
    %neg3A = arith.constant 0.000000e+00 : f32
    %neg3A_14 = vector.broadcast %neg3A : f32 to vector<256x26xf32>
    %neg3A_15 = arith.subf %neg3A_14, %dot_general3A_13 : vector<256x26xf32>
    %get3A_16 = arith.constant 0 : index
    %get3A_17 = arith.constant 0 : index
    %get3A_18 = vector.load %arg4[%get3A_16, %get3A_17] : memref<256x416xf32, #tpu.memory_space<vmem>>, vector<256x416xf32>
    %get3A_19 = arith.constant 0 : index
    %get3A_20 = arith.constant 0 : index
    %get3A_21 = vector.load %arg2[%get3A_19, %get3A_20] : memref<416x4096xf32, #tpu.memory_space<vmem>>, vector<416x4096xf32>
    %dot_general3A_22 = arith.constant dense<0.000000e+00> : vector<256x4096xf32>
    %dot_general3A_23 = tpu.matmul %get3A_18, %get3A_21, %dot_general3A_22 {dimension_numbers = #tpu.dot_dimension_numbers<[1], [0], [0], [1], [0, 0, 1, 1], [], []>, transpose_lhs_hint = false} : vector<256x416xf32>, vector<416x4096xf32>, vector<256x4096xf32> -> vector<256x4096xf32>
    %get3A_24 = arith.constant 0 : index
    %get3A_25 = arith.constant 0 : index
    %get3A_26 = vector.load %arg5[%get3A_24, %get3A_25] : memref<256x13xf32, #tpu.memory_space<vmem>>, vector<256x13xf32>
    %dot_general3A_27 = arith.constant dense<0.000000e+00> : vector<256x4096xf32>
    %dot_general3A_28 = tpu.matmul %get3A_26, %convert_element_type3A, %dot_general3A_27 {dimension_numbers = #tpu.dot_dimension_numbers<[1], [0], [0], [1], [0, 0, 1, 1], [], []>, transpose_lhs_hint = false} : vector<256x13xf32>, vector<13x4096xf32>, vector<256x4096xf32> -> vector<256x4096xf32>
    %add3A = arith.addf %dot_general3A_23, %dot_general3A_28 : vector<256x4096xf32>
    %dot_general3A_29 = arith.constant dense<0.000000e+00> : vector<256x4096xf32>
    %dot_general3A_30 = tpu.matmul %neg3A_15, %convert_element_type3A_6, %dot_general3A_29 {dimension_numbers = #tpu.dot_dimension_numbers<[1], [0], [0], [1], [0, 0, 1, 1], [], []>, transpose_lhs_hint = false} : vector<256x26xf32>, vector<26x4096xf32>, vector<256x4096xf32> -> vector<256x4096xf32>
    %add3A_31 = arith.addf %add3A, %dot_general3A_30 : vector<256x4096xf32>
    %get3A_32 = arith.constant 0 : index
    %get3A_33 = arith.constant 0 : index
    %get3A_34 = vector.load %arg7[%get3A_32, %get3A_33] : memref<256x1xf32, #tpu.memory_space<vmem>>, vector<256x1xf32>
    %add3A_35 = vector.broadcast %get3A_34 : vector<256x1xf32> to vector<256x4096xf32>
    %add3A_36 = arith.addf %add3A_31, %add3A_35 : vector<256x4096xf32>
    %max3A = arith.constant 0.000000e+00 : f32
    %max3A_37 = vector.broadcast %max3A : f32 to vector<256x4096xf32>
    %max3A_38 = arith.maximumf %add3A_36, %max3A_37 : vector<256x4096xf32>
    %get3A_39 = arith.constant 0 : index
    %get3A_40 = arith.constant 0 : index
    %get3A_41 = vector.load %arg8[%get3A_39, %get3A_40] : memref<128x256xf32, #tpu.memory_space<vmem>>, vector<128x256xf32>
    %dot_general3A_42 = arith.constant dense<0.000000e+00> : vector<128x4096xf32>
    %dot_general3A_43 = tpu.matmul %get3A_41, %max3A_38, %dot_general3A_42 {dimension_numbers = #tpu.dot_dimension_numbers<[1], [0], [0], [1], [0, 0, 1, 1], [], []>, transpose_lhs_hint = false} : vector<128x256xf32>, vector<256x4096xf32>, vector<128x4096xf32> -> vector<128x4096xf32>
    %get3A_44 = arith.constant 0 : index
    %get3A_45 = arith.constant 0 : index
    %get3A_46 = vector.load %arg9[%get3A_44, %get3A_45] : memref<128x1xf32, #tpu.memory_space<vmem>>, vector<128x1xf32>
    %add3A_47 = vector.broadcast %get3A_46 : vector<128x1xf32> to vector<128x4096xf32>
    %add3A_48 = arith.addf %dot_general3A_43, %add3A_47 : vector<128x4096xf32>
    %max3A_49 = arith.constant 0.000000e+00 : f32
    %max3A_50 = vector.broadcast %max3A_49 : f32 to vector<128x4096xf32>
    %max3A_51 = arith.maximumf %add3A_48, %max3A_50 : vector<128x4096xf32>
    %get3A_52 = arith.constant 0 : index
    %get3A_53 = arith.constant 0 : index
    %get3A_54 = vector.load %arg10[%get3A_52, %get3A_53] : memref<2x128xf32, #tpu.memory_space<vmem>>, vector<2x128xf32>
    %dot_general3A_55 = arith.constant dense<0.000000e+00> : vector<2x4096xf32>
    %dot_general3A_56 = tpu.matmul %get3A_54, %max3A_51, %dot_general3A_55 {dimension_numbers = #tpu.dot_dimension_numbers<[1], [0], [0], [1], [0, 0, 1, 1], [], []>, transpose_lhs_hint = false} : vector<2x128xf32>, vector<128x4096xf32>, vector<2x4096xf32> -> vector<2x4096xf32>
    %get3A_57 = arith.constant 0 : index
    %get3A_58 = arith.constant 0 : index
    %get3A_59 = vector.load %arg11[%get3A_57, %get3A_58] : memref<2x128xf32, #tpu.memory_space<vmem>>, vector<2x128xf32>
    %get3A_60 = arith.constant 0 : index
    %get3A_61 = arith.constant 0 : index
    %get3A_62 = vector.load %arg3[%get3A_60, %get3A_61] : memref<4096x128xf32, #tpu.memory_space<vmem>>, vector<4096x128xf32>
    %transpose3A = tpu.transpose %get3A_62, [1, 0] : vector<4096x128xf32> -> vector<128x4096xf32>
    %dot_general3A_63 = arith.constant dense<0.000000e+00> : vector<2x4096xf32>
    %dot_general3A_64 = tpu.matmul %get3A_59, %transpose3A, %dot_general3A_63 {dimension_numbers = #tpu.dot_dimension_numbers<[1], [0], [0], [1], [0, 0, 1, 1], [], []>, transpose_lhs_hint = false} : vector<2x128xf32>, vector<128x4096xf32>, vector<2x4096xf32> -> vector<2x4096xf32>
    %add3A_65 = arith.addf %dot_general3A_56, %dot_general3A_64 : vector<2x4096xf32>
    %get3A_66 = arith.constant 0 : index
    %get3A_67 = arith.constant 0 : index
    %get3A_68 = vector.load %arg12[%get3A_66, %get3A_67] : memref<2x1xf32, #tpu.memory_space<vmem>>, vector<2x1xf32>
    %add3A_69 = vector.broadcast %get3A_68 : vector<2x1xf32> to vector<2x4096xf32>
    %add3A_70 = arith.addf %add3A_65, %add3A_69 : vector<2x4096xf32>
    %swap3A = arith.constant 0 : index
    %swap3A_71 = arith.constant 0 : index
    %swap3A_72 = vector.load %arg13[%swap3A, %swap3A_71] : memref<2x4096xf32, #tpu.memory_space<vmem>>, vector<2x4096xf32>
    tpu.vector_store %arg13[%swap3A, %swap3A_71], %add3A_70 {strides = array<i32>} : memref<2x4096xf32, #tpu.memory_space<vmem>>, vector<2x4096xf32>,
    return
  }
  func.func @transform_0(%arg0: i32) -> (i32, i32) {
    %c0_i32 = arith.constant 0 : i32
    %c0_i32_0 = arith.constant 0 : i32
    return %c0_i32, %arg0 : i32, i32
  }
  func.func @transform_1(%arg0: i32) -> (i32, i32) {
    %c0_i32 = arith.constant 0 : i32
    %c0_i32_0 = arith.constant 0 : i32
    return %c0_i32, %arg0 : i32, i32
  }
  func.func @transform_2(%arg0: i32) -> (i32, i32) {
    %c0_i32 = arith.constant 0 : i32
    %c0_i32_0 = arith.constant 0 : i32
    return %arg0, %c0_i32 : i32, i32
  }
  func.func @transform_3(%arg0: i32) -> (i32, i32) {
    %c0_i32 = arith.constant 0 : i32
    %c0_i32_0 = arith.constant 0 : i32
    %c0_i32_1 = arith.constant 0 : i32
    return %c0_i32, %c0_i32_0 : i32, i32
  }
  func.func @transform_4(%arg0: i32) -> (i32, i32) {
    %c0_i32 = arith.constant 0 : i32
    %c0_i32_0 = arith.constant 0 : i32
    %c0_i32_1 = arith.constant 0 : i32
    return %c0_i32, %c0_i32_0 : i32, i32
  }
  func.func @transform_5(%arg0: i32) -> (i32, i32) {
    %c0_i32 = arith.constant 0 : i32
    %c0_i32_0 = arith.constant 0 : i32
    %c0_i32_1 = arith.constant 0 : i32
    return %c0_i32, %c0_i32_0 : i32, i32
  }
  func.func @transform_6(%arg0: i32) -> (i32, i32) {
    %c0_i32 = arith.constant 0 : i32
    %c0_i32_0 = arith.constant 0 : i32
    %c0_i32_1 = arith.constant 0 : i32
    return %c0_i32, %c0_i32_0 : i32, i32
  }
  func.func @transform_7(%arg0: i32) -> (i32, i32) {
    %c0_i32 = arith.constant 0 : i32
    %c0_i32_0 = arith.constant 0 : i32
    %c0_i32_1 = arith.constant 0 : i32
    return %c0_i32, %c0_i32_0 : i32, i32
  }
  func.func @transform_8(%arg0: i32) -> (i32, i32) {
    %c0_i32 = arith.constant 0 : i32
    %c0_i32_0 = arith.constant 0 : i32
    %c0_i32_1 = arith.constant 0 : i32
    return %c0_i32, %c0_i32_0 : i32, i32
  }
  func.func @transform_9(%arg0: i32) -> (i32, i32) {
    %c0_i32 = arith.constant 0 : i32
    %c0_i32_0 = arith.constant 0 : i32
    %c0_i32_1 = arith.constant 0 : i32
    return %c0_i32, %c0_i32_0 : i32, i32
  }
  func.func @transform_10(%arg0: i32) -> (i32, i32) {
    %c0_i32 = arith.constant 0 : i32
    %c0_i32_0 = arith.constant 0 : i32
    %c0_i32_1 = arith.constant 0 : i32
    return %c0_i32, %c0_i32_0 : i32, i32
  }
  func.func @transform_11(%arg0: i32) -> (i32, i32) {
    %c0_i32 = arith.constant 0 : i32
    %c0_i32_0 = arith.constant 0 : i32
    %c0_i32_1 = arith.constant 0 : i32
    return %c0_i32, %c0_i32_0 : i32, i32
  }
  func.func @transform_12(%arg0: i32) -> (i32, i32) {
    %c0_i32 = arith.constant 0 : i32
    %c0_i32_0 = arith.constant 0 : i32
    return %c0_i32, %arg0 : i32, i32
  }
}

</mosaic_0001>

<sc_bundles>
// kernel: kernel.4.cloned.1.call-start
scs
__scs_entry_jumppad:
0x0: {  	(pc) =	sbr.rel $0x88, $3  }
0x1: {  	(tag) =	ssettag $0x0;
	lr =	simm.s32 $0x1  }
0x2: {  	[smem:$0x3F98] =	sst lr;
	_ =	strace $0xD0000000  }
0x3: {  	_ = 	snop  }
0x4: {  	_ = 	snop  }
0x5: {  	_ = 	snop  }
0x6: {  	_ = 	snop  }
0x7: {  	_ = 	snop  }
__scs_overlays_trampoline_lowered:
0x8: {  	[smem:$0x3FA7] =	sst s0  }
0x9: {  	[smem:$0x3FA8] =	sst s1  }
0xa: {  	[smem:$0x3FA9] =	sst s2  }
0xb: {  	[smem:$0x3FAA] =	sst s3  }
0xc: {  	[smem:$0x3FAB] =	sst s4  }
0xd: {  	[smem:$0x3FAC] =	sst s5  }
0xe: {  	[smem:$0x3FAD] =	sst s6  }
0xf: {  	[smem:$0x3FAE] =	sst s7  }
0x10: {  	[smem:$0x3FAF] =	sst s8  }
0x11: {  	[smem:$0x3FB0] =	sst s9;
	s0 =	simm.s32 @!p0 $0x0  }
0x12: {  	s1 =	sld [smem:$0x3F96];
	s0 =	simm.s32 @p0 $0x1  }
0x13: {  	[smem:$0x3FB1] =	sst s0;
	s0 =	simm.s32 @!p1 $0x0  }
0x14: {  	s2 =	sld [smem:$0x3F95];
	s0 =	simm.s32 @p1 $0x1  }
0x15: {  	[smem:$0x3FB2] =	sst s0;
	s0 =	simm.s32 @!p2 $0x0  }
0x16: {  	s3 =	sld [smem:$0x3FDB];
	s0 =	simm.s32 @p2 $0x1  }
0x17: {  	s4 =	simm.s32 $0x1BF5;
	[smem:$0x3FB4] =	sst s0  }
0x18: {  	s0 =	sld [smem:$0x3F97];
	_ =	swait.ge [sflag:s4], $0x0  }
0x19: {  	s7 =	sld [smem:$0x3F98]  }
0x1a: {  	s8 =	sadd.s32 $0xFFFFE003, lr  }
0x1b: {  	s9 =	sadd.s32 $0xFFFFFEF7, lr;
	s5 =	simm.s32 $0xFFFFFFFF;
	p2 =	slt.u32 s8, $0xFFFFF086  }
0x1c: {  	p1 =	slt.u32 s9, $0xF7A;
	s5 =	simm.s32 @!p2 $0x0  }
0x1d: {  	s5 =	simm.s32 @p1 $0x1;
	p0 =	seq.s32 s7, s2  }
0x1e: {  	s7 =	smul.u32 @!p0 $0xF7A, s2;
	p2 =	seq.s32 @!p0 s5, $0x0  }
0x1f: {  	s9 =	smul.u32 $0xF7A, s1;
	s8 =	simm.s32 @!p0 $0x1BF5;
	p2 =	por !p2, p0  }
0x20: {  	[sflag:s8] =	ssyncset.s32 @!p0 $0xFFFFF086;
	s6 =	sadd.s32 @!p0 s3, s7;
	s7 =	simm.s32 @!p0 $0x108  }
0x21: {  	s3 =	sadd.s32 s3, s9;
	s6 =	sadd.s32 @!p0 $0x88, s6;
	s7 =	simm.s32 @p2 $0x1082  }
0x22: {  	[simem:s7], [sflag:s8] =	dma.local @!p0 [hbm:s6], $0xF7A  }
0x23: {  	s9 =	sor.u32 $0xD0000000, s2;
	s6 =	simm.s32 $0x108;
	_ =	swait.ge @!p0 [sflag:s8], $0x0  }
0x24: {  	s3 =	sadd.s32 $0x88, s3;
	s6 =	simm.s32 @!p1 $0x1082;
	[sflag:s4] =	ssyncset.s32 $0xFFFFF086  }
0x25: {  	[simem:s6], [sflag:s4] =	dma.local [hbm:s3], $0xF7A  }
0x26: {  	[smem:$0x3F98] =	sst s1;
	(tag) =	ssettag s2;
	_ =	strace s9  }
0x27: {  	s1 =	sld [smem:$0x3FA8]  }
0x28: {  	s2 =	sld [smem:$0x3FA9]  }
0x29: {  	s4 =	sld [smem:$0x3FAB]  }
0x2a: {  	p0 =	seq.s32 s5, $0x0;
	s5 =	sld [smem:$0x3FAC]  }
0x2b: {  	s6 =	sld [smem:$0x3FAD]  }
0x2c: {  	s7 =	sld [smem:$0x3FAE]  }
0x2d: {  	s3 =	simm.s32 $0x108;
	s8 =	sld [smem:$0x3FAF]  }
0x2e: {  	s3 =	simm.s32 @!p0 $0x1082;
	s9 =	sld [smem:$0x3FB0]  }
0x2f: {  	lr =	sadd.s32 s0, s3;
	s0 =	sld [smem:$0x3FA7]  }
0x30: {  	s3 =	sld [smem:$0x3FAA]  }
0x31: {  	[smem:$0x3FB3] =	sst s10  }
0x32: {  	s10 =	sld [smem:$0x3FB1];
	_ =	sdelay $0x3  }
0x33: {  	p0 =	seq.s32 s10, $0x1;
	s10 =	sld [smem:$0x3FB3];
	_ =	sdelay $0x3  }
0x34: {  	[smem:$0x3FB3] =	sst s10  }
0x35: {  	s10 =	sld [smem:$0x3FB2];
	_ =	sdelay $0x3  }
0x36: {  	p1 =	seq.s32 s10, $0x1;
	s10 =	sld [smem:$0x3FB3];
	_ =	sdelay $0x3  }
0x37: {  	[smem:$0x3FB3] =	sst s10  }
0x38: {  	s10 =	sld [smem:$0x3FB4]  }
0x39: {  	_ = 	snop;
	(pc) =	sbr.ind lr, $3  }
0x3a: {  	_ = 	snop  }
0x3b: {  	_ = 	snop  }
0x3c: {  	p2 =	seq.s32 s10, $0x1;
	s10 =	sld [smem:$0x3FB3]  }
0x3d: {  	_ =	shalt  }
0x3e: {  	_ =	shalt  }
0x3f: {  	_ =	shalt  }
0x40: {  	_ =	shalt  }
0x41: {  	_ =	shalt  }
0x42: {  	_ =	shalt  }
0x43: {  	_ =	shalt  }
0x44: {  	_ =	shalt  }
0x45: {  	_ =	shalt  }
0x46: {  	_ =	shalt  }
0x47: {  	_ =	shalt  }
0x48: {  	_ =	shalt  }
0x49: {  	_ =	shalt  }
0x4a: {  	_ =	shalt  }
0x4b: {  	_ =	shalt  }
0x4c: {  	_ =	shalt  }
0x4d: {  	_ =	shalt  }
0x4e: {  	_ =	shalt  }
0x4f: {  	_ =	shalt  }
0x50: {  	_ =	shalt  }
0x51: {  	_ =	shalt  }
0x52: {  	_ =	shalt  }
0x53: {  	_ =	shalt  }
0x54: {  	_ =	shalt  }
0x55: {  	_ =	shalt  }
0x56: {  	_ =	shalt  }
0x57: {  	_ =	shalt  }
0x58: {  	_ =	shalt  }
0x59: {  	_ =	shalt  }
0x5a: {  	_ =	shalt  }
0x5b: {  	_ =	shalt  }
0x5c: {  	_ =	shalt  }
0x5d: {  	_ =	shalt  }
0x5e: {  	_ =	shalt  }
0x5f: {  	_ =	shalt  }
0x60: {  	_ =	shalt  }
0x61: {  	_ =	shalt  }
0x62: {  	_ =	shalt  }
0x63: {  	_ =	shalt  }
0x64: {  	_ =	shalt  }
0x65: {  	_ =	shalt  }
0x66: {  	_ =	shalt  }
0x67: {  	_ =	shalt  }
0x68: {  	_ =	shalt  }
0x69: {  	_ =	shalt  }
0x6a: {  	_ =	shalt  }
0x6b: {  	_ =	shalt  }
0x6c: {  	_ =	shalt  }
0x6d: {  	_ =	shalt  }
0x6e: {  	_ =	shalt  }
0x6f: {  	_ =	shalt  }
0x70: {  	_ =	shalt  }
0x71: {  	_ =	shalt  }
0x72: {  	_ =	shalt  }
0x73: {  	_ =	shalt  }
0x74: {  	_ =	shalt  }
0x75: {  	_ =	shalt  }
0x76: {  	_ =	shalt  }
0x77: {  	_ =	shalt  }
0x78: {  	_ =	shalt  }
0x79: {  	_ =	shalt  }
0x7a: {  	_ =	shalt  }
0x7b: {  	_ =	shalt  }
0x7c: {  	_ =	shalt  }
0x7d: {  	_ =	shalt  }
0x7e: {  	_ =	shalt  }
0x7f: {  	_ =	shalt  }
0x80: {  	_ =	shalt  }
0x81: {  	_ =	shalt  }
0x82: {  	_ =	shalt  }
0x83: {  	_ =	shalt  }
0x84: {  	_ =	shalt  }
0x85: {  	_ =	shalt  }
0x86: {  	_ =	shalt  }
0x87: {  	_ =	shalt  }
.Lfunc_end0:
.L_simem_size_0:
called_computation_lowered:
.L_overlay_start_0:
0x88: {  	s2 =	sld [smem:$0x3FD9]  }
0x89: {  	s3 =	sld [smem:$0x3FFE];
	_ =	sdelay $0x1  }
0x8a: {  	s1 =	srdreg.scid  }
0x8b: {  	s0 =	sand.u32 $0x1, s1  }
0x8c: {  	s17 =	sshll.u32 s0, $0xA;
	s2 =	sadd.s32 s3, s2  }
0x8d: {  	s2 =	sadd.s32 s2, s17  }
0x8e: {  	[smem:$0x3FBF] =	sst s2  }
0x8f: {  	_ = 	snop  }
0x90: {  	s2 =	sld [smem:$0x3FC8]  }
0x91: {  	s18 =	sld [smem:$0x3FC7];
	(tm) =	ssettm $0x1  }
0x92: {  	s4 =	sld [smem:$0x3FFB];
	_ =	sdelay $0x3  }
0x93: {  	_ =	strace s4  }
0x94: {  	s4 =	sld [smem:$0x3FFC];
	_ =	sdelay $0x3  }
0x95: {  	_ =	strace s4  }
0x96: {  	s4 =	sld [smem:$0x3FFD];
	_ =	sdelay $0x3  }
0x97: {  	_ =	strace s4  }
0x98: {  	_ =	strace $0x8FFFFFFF  }
0x99: {  	s19 =	sld [smem:$0x3FDB];
	_ =	sdelay $0x1  }
0x9a: {  	s5 =	simm.s32 $_scs_section_size  }
0x9b: {  	s6 =	simm.s32 $_size__tile_overlayer_lowered;
	s7 =	simm.s32 $_tile_overlayer_lowered  }
0x9c: {  	s22 =	simm.s32 $0x1BFF;
	s21 =	sshll.u32 s7, $0x1;
	s4 =	sadd.s32 s5, s19  }
0x9d: {  	s8 =	simm.s32 $0x0;
	s20 =	sshll.u32 s6, $0x1;
	s6 =	sadd.s32 s21, s4  }
0x9e: {  	[timem:s8], [sflag:s22] =	dma.local [hbm:s6], s20  }
0x9f: {  	_ =	swait.ge [sflag:s22], s20  }
0xa0: {  	s5 =	ssub.s32 $0x0, s20;
	[sflag:s22] =	ssyncset.done $0x0  }
0xa1: {  	[sflag:s22] =	ssyncadd.s32 s5;
	_ =	sdelay $0x1  }
0xa2: {  	s23 =	simm.s32 $0x1B8B  }
0xa3: {  	_ =	swait.ge [sflag:s23], $0x1  }
0xa4: {  	[sflag:s23] =	ssyncset.done $0x0  }
0xa5: {  	s25 =	simm.s32 $0x1B8E;
	s24 =	sld [smem:$0x3FFE];
	[sflag:s23] =	ssyncadd.s32 $0xFFFFFFFF  }
0xa6: {  	s26 =	simm.s32 $execute0_lowered;
	[smem:$0x3FD2] =	sst s25  }
0xa7: {  	s6 =	sshll.u32 s26, $0x1;
	_ =	strace $0x80000046;
	[dreg:$0x1] =	wrdreg $0xFFFFFFFF  }
0xa8: {  	s28 =	simm.s32 $_size_execute0_lowered;
	s4 =	sadd.s32 s4, s6;
	[dreg:$0x0] =	wrdreg $0x0  }
0xa9: {  	s6 =	sshll.u32 s28, $0x1;
	[dreg:$0x2] =	wrdreg s4  }
0xaa: {  	[dreg:$0x3] =	wrdreg s6  }
0xab: {  	[dreg:$0x4] =	wrdreg $0xC0  }
0xac: {  	_ =	task [dreg:s8], $0x5FFFF  }
0xad: {  	[dreg:$0x1] =	wrdreg $0xFFFFFFFF  }
0xae: {  	[dreg:$0x0] =	wrdreg $0x60  }
0xaf: {  	[dreg:$0x2] =	wrdreg s18  }
0xb0: {  	[dreg:$0x3] =	wrdreg s2  }
0xb1: {  	[dreg:$0x4] =	wrdreg s24  }
0xb2: {  	[dreg:$0x5] =	wrdreg $0x9  }
0xb3: {  	_ =	task.clear_ibuf [dreg:s8], $0x6FFFF;
	_ =	strace $0x90000046  }
0xb4: {  	s29 =	simm.s32 $0x9;
	_ =	strace $0x80000048  }
0xb5: {  	_ =	swait.ge [sflag:s29], $0x1  }
0xb6: {  	[sflag:s29] =	ssyncadd.s32 $0xFFFFFFFF  }
0xb7: {  	_ =	strace $0x90000048  }
0xb8: {  	_ =	sfence  }
0xb9: {  	s30 =	sld [smem:$0x0];
	_ =	sdelay $0x2  }
0xba: {  	s31 =	sshll.u32 s1, $0xD;
	s1 =	sshrl.u32 s1, $0x2  }
0xbb: {  	s3 =	sand.u32 $0x4000, s31;
	s1 =	sadd.s32 s1, s30  }
0xbc: {  	s0 =	sor.u32 s3, s0;
	s1 =	sshll.u32 s1, $0x11  }
0xbd: {  	s0 =	sor.u32 s1, s0  }
0xbe: {  	s0 =	sadd.s32 $0x8F2B, s0  }
0xbf: {  	[sflag:s0] =	ssyncadd.remote.s32 $0x1  }
0xc0: {  	_ =	sfence.sel $0xFFFF  }
0xc1: {  	[dreg:$0x0] =	wrdreg $0xFFFFFFFF;
	(pc) =	sbr.abs _section_cstart, $3  }
0xc2: {  	[dreg:$0x1] =	wrdreg $0xFFFFFFFF  }
0xc3: {  	_ =	task.clear_ibuf [dreg:s8], $0x2FFFF;
	_ =	strace $0x9FFFFFFF  }
0xc4: {  	(tm) =	ssettm $0x7FFFFFFF  }
0xc5: {  	_ =	shalt  }
tec
execute0_lowered:
.L_overlay_start_1:
0x0: {  	(tag) =	ssettag $0x1  }
0x1: {  	s1 =	rddreg [dreg:$0x0]  }
0x2: {  	s2 =	rddreg [dreg:$0x1]  }
0x3: {  	s5 =	rddreg [dreg:$0x2]  }
0x4: {  	s0 =	rddreg [dreg:$0x3];
	s6 =	srdreg.scid  }
0x5: {  	s4 =	simm.s32 $0x0;
	s3 =	stileid.u32;
	s10 =	simm.s32 $0x1  }
0x6: {  	s11 =	simm.s32 $0x1C700;
	s12 =	simm.s32 $0x0;
	s6 =	sand.u32 $0x1, s6  }
0x7: {  	[smem:$0x7FF] =	sst s4;
	s8 =	sshll.u32 s3, $0x1;
	s7 =	ssub.s32 $0x2, s6  }
0x8: {  	s5 =	sadd.s32 $0x1C00, s5;
	_ =	strace $0x80000047;
	s9 =	sshrl.u32 s7, $0x1  }
0x9: {  	s6 =	sor.u32 s6, s8;
	s8 =	simm.s32 $0x80;
	s7 =	ssub.s32 s7, s9  }
0xa: {  	s6 =	smul.u32 $0xD, s6;
	s9 =	simm.s32 $0x400;
	s7 =	smax.u32 s7, $0x1  }
.LBB2_1:
0xb: {  	s14 =	simm.s32 $0xFFFFFFFF;
	s13 =	simm.s32 $0x0  }
.LBB2_2:
0xc: {  	s15 =	sadd.s32 s6, s13  }
0xd: {  	s16 =	smov.u32 s14;
	s14 =	sshrl.u32 s15, $0x4  }
0xe: {  	p0 =	seq.s32 s14, s16  }
0xf: {  	s25 =	sshll.u32 s15, $0x1C;
	s16 =	sshll.u32 @!p0 s14, $0xB;
	s17 =	sand.u32 @!p0 $0x70, s15  }
0x10: {  	s18 =	simm.s32 @!p0 $0x400;
	s16 =	sand.u32 @!p0 $0xFFFC000, s16;
	s17 =	sadd.s32 @!p0 s2, s17  }
0x11: {  	s19 =	simm.s32 @!p0 $0x18700;
	s16 =	sadd.s32 @!p0 s16, s17;
	s17 =	simm.s32 @!p0 $0x80  }
0x12: {  	[tilespmem:s19], [sflag:$0x1] =	stream.strided.gather @!p0 [hbm4b:s16+s17], $0x4000, s18, s17, $0x38;
	[tilespmem:$0x1E700] =	vst v63  }
0x13: {  	s26 =	smul.u32 $0x187000, s14;
	s16 =	sshra.s32 s25, $0x1F  }
0x14: {  	s28 =	sshll.u32 s15, $0x7;
	s16 =	sand.u32 $0xC3800, s16  }
0x15: {  	s29 =	sand.u32 $0x380, s28;
	s19 =	simm.s32 @!p0 $0x1;
	s16 =	sadd.s32 s26, s16  }
0x16: {  	_ =	swait.ge @!p0 [sflag:s19], $0x4000;
	s16 =	sor.u32 s29, s16  }
0x17: {  	[sflag:s19] =	ssyncset.done @!p0 $0x0;
	s16 =	sshrl.u32 s16, $0x3  }
0x18: {  	s30 =	simm.s32 $0x0;
	[sflag:s19] =	ssyncadd.s32 @!p0 $0xFFFFC000;
	s16 =	sadd.s32 s1, s16  }
0x19: {  	[tilespmem:s30], [sflag:$0x1] =	stream.strided.gather [hbm4b:s16+s8], $0x18700, s9, s8, $0x38;
	[tilespmem:$0x1E700] =	vst v63  }
0x1a: {  	_ =	swait.ge [sflag:s10], $0x18700  }
0x1b: {  	[sflag:s10] =	ssyncset.done $0x0  }
0x1c: {  	s16 =	simm.s32 $0x0;
	[sflag:s10] =	ssyncadd.s32 $0xFFFE7900  }
0x1d: {  	v0 =	vld [tilespmem:s16+$0x18700];
	_ =	sdelay $0x5  }
0x1e: {  	v1 =	vld [tilespmem:s16+$0x18710];
	_ =	sdelay $0x1  }
0x1f: {  	v0 =	vld.idx.msk [tilespmem:v0+s4+$0x0], $0xffff;
	_ =	sdelay $0x4  }
0x20: {  	[tilespmem:s16+$0x1C700] =	vst v0;
	v0 =	vld [tilespmem:s16+$0x18720]  }
0x21: {  	v1 =	vld.idx.msk [tilespmem:v1+s4+$0x0], $0xffff;
	_ =	sdelay $0x4  }
0x22: {  	[tilespmem:s16+$0x1C710] =	vst v1;
	v1 =	vld [tilespmem:s16+$0x18730];
	_ =	sdelay $0x1  }
0x23: {  	v0 =	vld.idx.msk [tilespmem:v0+s4+$0x0], $0xffff;
	_ =	sdelay $0x4  }
0x24: {  	[tilespmem:s16+$0x1C720] =	vst v0;
	v0 =	vld [tilespmem:s16+$0x18740]  }
0x25: {  	v1 =	vld.idx.msk [tilespmem:v1+s4+$0x0], $0xffff;
	_ =	sdelay $0x4  }
0x26: {  	[tilespmem:s16+$0x1C730] =	vst v1;
	v1 =	vld [tilespmem:s16+$0x18750];
	_ =	sdelay $0x1  }
0x27: {  	v0 =	vld.idx.msk [tilespmem:v0+s4+$0x0], $0xffff;
	_ =	sdelay $0x4  }
0x28: {  	[tilespmem:s16+$0x1C740] =	vst v0;
	v0 =	vld [tilespmem:s16+$0x18760]  }
0x29: {  	v1 =	vld.idx.msk [tilespmem:v1+s4+$0x0], $0xffff;
	_ =	sdelay $0x4  }
0x2a: {  	[tilespmem:s16+$0x1C750] =	vst v1;
	v1 =	vld [tilespmem:s16+$0x18770];
	_ =	sdelay $0x1  }
0x2b: {  	v0 =	vld.idx.msk [tilespmem:v0+s4+$0x0], $0xffff;
	_ =	sdelay $0x4  }
0x2c: {  	[tilespmem:s16+$0x1C760] =	vst v0;
	v0 =	vld [tilespmem:s16+$0x18780]  }
0x2d: {  	v1 =	vld.idx.msk [tilespmem:v1+s4+$0x0], $0xffff;
	_ =	sdelay $0x4  }
0x2e: {  	[tilespmem:s16+$0x1C770] =	vst v1;
	v1 =	vld [tilespmem:s16+$0x18790];
	_ =	sdelay $0x1  }
0x2f: {  	v0 =	vld.idx.msk [tilespmem:v0+s4+$0x0], $0xffff;
	_ =	sdelay $0x4  }
0x30: {  	[tilespmem:s16+$0x1C780] =	vst v0;
	v0 =	vld [tilespmem:s16+$0x187A0]  }
0x31: {  	v1 =	vld.idx.msk [tilespmem:v1+s4+$0x0], $0xffff;
	_ =	sdelay $0x4  }
0x32: {  	[tilespmem:s16+$0x1C790] =	vst v1;
	v1 =	vld [tilespmem:s16+$0x187B0];
	_ =	sdelay $0x1  }
0x33: {  	v0 =	vld.idx.msk [tilespmem:v0+s4+$0x0], $0xffff;
	_ =	sdelay $0x4  }
0x34: {  	[tilespmem:s16+$0x1C7A0] =	vst v0;
	v0 =	vld [tilespmem:s16+$0x187C0]  }
0x35: {  	v1 =	vld.idx.msk [tilespmem:v1+s4+$0x0], $0xffff;
	_ =	sdelay $0x4  }
0x36: {  	[tilespmem:s16+$0x1C7B0] =	vst v1;
	v1 =	vld [tilespmem:s16+$0x187D0];
	_ =	sdelay $0x1  }
0x37: {  	v0 =	vld.idx.msk [tilespmem:v0+s4+$0x0], $0xffff;
	_ =	sdelay $0x4  }
0x38: {  	v2 =	vld [tilespmem:s16+$0x187E0];
	[tilespmem:s16+$0x1C7C0] =	vst v0  }
0x39: {  	v0 =	vld.idx.msk [tilespmem:v1+s4+$0x0], $0xffff;
	_ =	sdelay $0x4  }
0x3a: {  	[tilespmem:s16+$0x1C7D0] =	vst v0;
	v0 =	vld [tilespmem:s16+$0x187F0];
	_ =	sdelay $0x1  }
0x3b: {  	v1 =	vld.idx.msk [tilespmem:v2+s4+$0x0], $0xffff  }
0x3c: {  	s31 =	sshll.u32 s15, $0xB  }
0x3d: {  	s15 =	sshll.u32 s15, $0x4;
	s17 =	sand.u32 $0xFFFC000, s31  }
0x3e: {  	s15 =	sand.u32 $0x70, s15;
	s17 =	sadd.s32 s5, s17  }
0x3f: {  	s18 =	simm.s32 $0x100;
	s15 =	sadd.s32 s15, s17;
	s17 =	simm.s32 $0x800  }
.LBB2_3:
0x40: {  	p0 =	sne.s32 s17, $0x7C00;
	v2 =	vld [tilespmem:s18+$0x18700];
	[tilespmem:s16+$0x1C7E0] =	vst v1  }
0x41: {  	v0 =	vld.idx.msk [tilespmem:v0+s4+$0x0], $0xffff;
	_ =	sdelay $0x5  }
0x42: {  	v1 =	vld [tilespmem:s18+$0x18710];
	[tilespmem:s16+$0x1C7F0] =	vst v0;
	s16 =	smov.u32 s18  }
0x43: {  	v0 =	vld.idx.msk [tilespmem:v2+s4+$0x0], $0xffff;
	_ =	sdelay $0x5  }
0x44: {  	[tilespmem:s16+$0x1C700] =	vst v0;
	v0 =	vld [tilespmem:s16+$0x18720]  }
0x45: {  	v1 =	vld.idx.msk [tilespmem:v1+s4+$0x0], $0xffff;
	_ =	sdelay $0x5  }
0x46: {  	[tilespmem:s16+$0x1C710] =	vst v1;
	v1 =	vld [tilespmem:s16+$0x18730]  }
0x47: {  	v0 =	vld.idx.msk [tilespmem:v0+s4+$0x0], $0xffff;
	_ =	sdelay $0x5  }
0x48: {  	[tilespmem:s16+$0x1C720] =	vst v0;
	v0 =	vld [tilespmem:s16+$0x18740]  }
0x49: {  	v1 =	vld.idx.msk [tilespmem:v1+s4+$0x0], $0xffff;
	_ =	sdelay $0x5  }
0x4a: {  	[tilespmem:s16+$0x1C730] =	vst v1;
	v1 =	vld [tilespmem:s16+$0x18750]  }
0x4b: {  	v0 =	vld.idx.msk [tilespmem:v0+s4+$0x0], $0xffff;
	_ =	sdelay $0x5  }
0x4c: {  	[tilespmem:s16+$0x1C740] =	vst v0;
	v0 =	vld [tilespmem:s16+$0x18760]  }
0x4d: {  	v1 =	vld.idx.msk [tilespmem:v1+s4+$0x0], $0xffff;
	_ =	sdelay $0x5  }
0x4e: {  	[tilespmem:s16+$0x1C750] =	vst v1;
	v1 =	vld [tilespmem:s16+$0x18770]  }
0x4f: {  	v0 =	vld.idx.msk [tilespmem:v0+s4+$0x0], $0xffff;
	_ =	sdelay $0x5  }
0x50: {  	[tilespmem:s16+$0x1C760] =	vst v0;
	v0 =	vld [tilespmem:s16+$0x18780]  }
0x51: {  	v1 =	vld.idx.msk [tilespmem:v1+s4+$0x0], $0xffff;
	_ =	sdelay $0x5  }
0x52: {  	[tilespmem:s16+$0x1C770] =	vst v1;
	v1 =	vld [tilespmem:s16+$0x18790]  }
0x53: {  	v0 =	vld.idx.msk [tilespmem:v0+s4+$0x0], $0xffff;
	_ =	sdelay $0x5  }
0x54: {  	[tilespmem:s16+$0x1C780] =	vst v0;
	v0 =	vld [tilespmem:s16+$0x187A0]  }
0x55: {  	v1 =	vld.idx.msk [tilespmem:v1+s4+$0x0], $0xffff;
	_ =	sdelay $0x5  }
0x56: {  	[tilespmem:s16+$0x1C790] =	vst v1;
	v1 =	vld [tilespmem:s16+$0x187B0]  }
0x57: {  	v0 =	vld.idx.msk [tilespmem:v0+s4+$0x0], $0xffff;
	_ =	sdelay $0x5  }
0x58: {  	[tilespmem:s16+$0x1C7A0] =	vst v0;
	v0 =	vld [tilespmem:s16+$0x187C0]  }
0x59: {  	v1 =	vld.idx.msk [tilespmem:v1+s4+$0x0], $0xffff;
	_ =	sdelay $0x5  }
0x5a: {  	[tilespmem:s16+$0x1C7B0] =	vst v1;
	v1 =	vld [tilespmem:s16+$0x187D0]  }
0x5b: {  	v0 =	vld.idx.msk [tilespmem:v0+s4+$0x0], $0xffff;
	_ =	sdelay $0x5  }
0x5c: {  	[tilespmem:s16+$0x1C7C0] =	vst v0;
	v2 =	vld [tilespmem:s16+$0x187E0]  }
0x5d: {  	v0 =	vld.idx.msk [tilespmem:v1+s4+$0x0], $0xffff;
	_ =	sdelay $0x5  }
0x5e: {  	[tilespmem:s16+$0x1C7D0] =	vst v0;
	v0 =	vld [tilespmem:s16+$0x187F0]  }
0x5f: {  	v1 =	vld.idx.msk [tilespmem:v2+s4+$0x0], $0xffff  }
.Ltmp0:
0x60: {  	(pc) =	sbr.rel @p0 .LBB2_3-.Ltmp0, $2  }
0x61: {  	_ =	sdelay $0x2  }
0x62: {  	s18 =	sshra.s32 s17, $0x2;
	s17 =	sadd.s32 $0x400, s17  }
0x63: {  	_ =	sdelay $0x1  }
0x64: {  	v2 =	vld [tilespmem:s18+$0x18700]  }
0x65: {  	[tilespmem:s16+$0x1C7E0] =	vst v1  }
0x66: {  	v0 =	vld.idx.msk [tilespmem:v0+s4+$0x0], $0xffff;
	_ =	sdelay $0x3  }
0x67: {  	v1 =	vld [tilespmem:s18+$0x18710]  }
0x68: {  	[tilespmem:s16+$0x1C7F0] =	vst v0  }
0x69: {  	v0 =	vld.idx.msk [tilespmem:v2+s4+$0x0], $0xffff;
	_ =	sdelay $0x4  }
0x6a: {  	[tilespmem:s18+$0x1C700] =	vst v0;
	v0 =	vld [tilespmem:s18+$0x18720]  }
0x6b: {  	v1 =	vld.idx.msk [tilespmem:v1+s4+$0x0], $0xffff;
	_ =	sdelay $0x4  }
0x6c: {  	[tilespmem:s18+$0x1C710] =	vst v1;
	v1 =	vld [tilespmem:s18+$0x18730];
	_ =	sdelay $0x1  }
0x6d: {  	v0 =	vld.idx.msk [tilespmem:v0+s4+$0x0], $0xffff;
	_ =	sdelay $0x4  }
0x6e: {  	[tilespmem:s18+$0x1C720] =	vst v0;
	v0 =	vld [tilespmem:s18+$0x18740]  }
0x6f: {  	v1 =	vld.idx.msk [tilespmem:v1+s4+$0x0], $0xffff;
	_ =	sdelay $0x4  }
0x70: {  	[tilespmem:s18+$0x1C730] =	vst v1;
	v1 =	vld [tilespmem:s18+$0x18750];
	_ =	sdelay $0x1  }
0x71: {  	v0 =	vld.idx.msk [tilespmem:v0+s4+$0x0], $0xffff;
	_ =	sdelay $0x4  }
0x72: {  	[tilespmem:s18+$0x1C740] =	vst v0;
	v0 =	vld [tilespmem:s18+$0x18760]  }
0x73: {  	v1 =	vld.idx.msk [tilespmem:v1+s4+$0x0], $0xffff;
	_ =	sdelay $0x4  }
0x74: {  	[tilespmem:s18+$0x1C750] =	vst v1;
	v1 =	vld [tilespmem:s18+$0x18770];
	_ =	sdelay $0x1  }
0x75: {  	v0 =	vld.idx.msk [tilespmem:v0+s4+$0x0], $0xffff;
	_ =	sdelay $0x4  }
0x76: {  	[tilespmem:s18+$0x1C760] =	vst v0;
	v0 =	vld [tilespmem:s18+$0x18780]  }
0x77: {  	v1 =	vld.idx.msk [tilespmem:v1+s4+$0x0], $0xffff;
	_ =	sdelay $0x4  }
0x78: {  	[tilespmem:s18+$0x1C770] =	vst v1;
	v1 =	vld [tilespmem:s18+$0x18790];
	_ =	sdelay $0x1  }
0x79: {  	v0 =	vld.idx.msk [tilespmem:v0+s4+$0x0], $0xffff;
	_ =	sdelay $0x4  }
0x7a: {  	[tilespmem:s18+$0x1C780] =	vst v0;
	v0 =	vld [tilespmem:s18+$0x187A0]  }
0x7b: {  	v1 =	vld.idx.msk [tilespmem:v1+s4+$0x0], $0xffff;
	_ =	sdelay $0x4  }
0x7c: {  	[tilespmem:s18+$0x1C790] =	vst v1;
	v1 =	vld [tilespmem:s18+$0x187B0];
	_ =	sdelay $0x1  }
0x7d: {  	v0 =	vld.idx.msk [tilespmem:v0+s4+$0x0], $0xffff;
	_ =	sdelay $0x4  }
0x7e: {  	[tilespmem:s18+$0x1C7A0] =	vst v0;
	v0 =	vld [tilespmem:s18+$0x187C0]  }
0x7f: {  	v1 =	vld.idx.msk [tilespmem:v1+s4+$0x0], $0xffff;
	_ =	sdelay $0x4  }
0x80: {  	[tilespmem:s18+$0x1C7B0] =	vst v1;
	v1 =	vld [tilespmem:s18+$0x187D0];
	_ =	sdelay $0x1  }
0x81: {  	v0 =	vld.idx.msk [tilespmem:v0+s4+$0x0], $0xffff;
	_ =	sdelay $0x4  }
0x82: {  	[tilespmem:s18+$0x1C7C0] =	vst v0;
	v0 =	vld [tilespmem:s18+$0x187E0]  }
0x83: {  	v1 =	vld.idx.msk [tilespmem:v1+s4+$0x0], $0xffff;
	_ =	sdelay $0x4  }
0x84: {  	[tilespmem:s18+$0x1C7D0] =	vst v1;
	v1 =	vld [tilespmem:s18+$0x187F0];
	_ =	sdelay $0x1  }
0x85: {  	v0 =	vld.idx.msk [tilespmem:v0+s4+$0x0], $0xffff;
	_ =	sdelay $0x4  }
0x86: {  	[tilespmem:s18+$0x1C7E0] =	vst v0  }
0x87: {  	v0 =	vld.idx.msk [tilespmem:v1+s4+$0x0], $0xffff;
	_ =	sdelay $0x4  }
0x88: {  	[tilespmem:s18+$0x1C7F0] =	vst v0  }
0x89: {  	[hbm4b:s15+s8] =	stream.strided.scatter [tilespmem:s11], [sflag:$0x1], $0x2000, s9, s8, $0x38;
	[tilespmem:$0x1E700] =	vst v63  }
0x8a: {  	_ =	swait.ge [sflag:s10], $0x2000  }
0x8b: {  	[sflag:s10] =	ssyncset.done $0x0  }
0x8c: {  	s16 =	simm.s32 $0x0;
	[sflag:s10] =	ssyncadd.s32 $0xFFFFE000  }
0x8d: {  	v0 =	vld [tilespmem:s16+$0x1A700];
	_ =	sdelay $0x5  }
0x8e: {  	v1 =	vld [tilespmem:s16+$0x1A710];
	_ =	sdelay $0x1  }
0x8f: {  	v0 =	vld.idx.msk [tilespmem:v0+s4+$0x0], $0xffff;
	_ =	sdelay $0x4  }
0x90: {  	[tilespmem:s16+$0x1C700] =	vst v0;
	v0 =	vld [tilespmem:s16+$0x1A720]  }
0x91: {  	v1 =	vld.idx.msk [tilespmem:v1+s4+$0x0], $0xffff;
	_ =	sdelay $0x4  }
0x92: {  	[tilespmem:s16+$0x1C710] =	vst v1;
	v1 =	vld [tilespmem:s16+$0x1A730];
	_ =	sdelay $0x1  }
0x93: {  	v0 =	vld.idx.msk [tilespmem:v0+s4+$0x0], $0xffff;
	_ =	sdelay $0x4  }
0x94: {  	[tilespmem:s16+$0x1C720] =	vst v0;
	v0 =	vld [tilespmem:s16+$0x1A740]  }
0x95: {  	v1 =	vld.idx.msk [tilespmem:v1+s4+$0x0], $0xffff;
	_ =	sdelay $0x4  }
0x96: {  	[tilespmem:s16+$0x1C730] =	vst v1;
	v1 =	vld [tilespmem:s16+$0x1A750];
	_ =	sdelay $0x1  }
0x97: {  	v0 =	vld.idx.msk [tilespmem:v0+s4+$0x0], $0xffff;
	_ =	sdelay $0x4  }
0x98: {  	[tilespmem:s16+$0x1C740] =	vst v0;
	v0 =	vld [tilespmem:s16+$0x1A760]  }
0x99: {  	v1 =	vld.idx.msk [tilespmem:v1+s4+$0x0], $0xffff;
	_ =	sdelay $0x4  }
0x9a: {  	[tilespmem:s16+$0x1C750] =	vst v1;
	v1 =	vld [tilespmem:s16+$0x1A770];
	_ =	sdelay $0x1  }
0x9b: {  	v0 =	vld.idx.msk [tilespmem:v0+s4+$0x0], $0xffff;
	_ =	sdelay $0x4  }
0x9c: {  	[tilespmem:s16+$0x1C760] =	vst v0;
	v0 =	vld [tilespmem:s16+$0x1A780]  }
0x9d: {  	v1 =	vld.idx.msk [tilespmem:v1+s4+$0x0], $0xffff;
	_ =	sdelay $0x4  }
0x9e: {  	[tilespmem:s16+$0x1C770] =	vst v1;
	v1 =	vld [tilespmem:s16+$0x1A790];
	_ =	sdelay $0x1  }
0x9f: {  	v0 =	vld.idx.msk [tilespmem:v0+s4+$0x0], $0xffff;
	_ =	sdelay $0x4  }
0xa0: {  	[tilespmem:s16+$0x1C780] =	vst v0;
	v0 =	vld [tilespmem:s16+$0x1A7A0]  }
0xa1: {  	v1 =	vld.idx.msk [tilespmem:v1+s4+$0x0], $0xffff;
	_ =	sdelay $0x4  }
0xa2: {  	[tilespmem:s16+$0x1C790] =	vst v1;
	v1 =	vld [tilespmem:s16+$0x1A7B0];
	_ =	sdelay $0x1  }
0xa3: {  	v0 =	vld.idx.msk [tilespmem:v0+s4+$0x0], $0xffff;
	_ =	sdelay $0x4  }
0xa4: {  	[tilespmem:s16+$0x1C7A0] =	vst v0;
	v0 =	vld [tilespmem:s16+$0x1A7C0]  }
0xa5: {  	v1 =	vld.idx.msk [tilespmem:v1+s4+$0x0], $0xffff;
	_ =	sdelay $0x4  }
0xa6: {  	[tilespmem:s16+$0x1C7B0] =	vst v1;
	v1 =	vld [tilespmem:s16+$0x1A7D0];
	_ =	sdelay $0x1  }
0xa7: {  	v0 =	vld.idx.msk [tilespmem:v0+s4+$0x0], $0xffff;
	_ =	sdelay $0x4  }
0xa8: {  	v2 =	vld [tilespmem:s16+$0x1A7E0];
	[tilespmem:s16+$0x1C7C0] =	vst v0  }
0xa9: {  	v0 =	vld.idx.msk [tilespmem:v1+s4+$0x0], $0xffff;
	_ =	sdelay $0x4  }
0xaa: {  	[tilespmem:s16+$0x1C7D0] =	vst v0;
	v0 =	vld [tilespmem:s16+$0x1A7F0];
	_ =	sdelay $0x1  }
0xab: {  	v1 =	vld.idx.msk [tilespmem:v2+s4+$0x0], $0xffff;
	_ =	sdelay $0x3  }
0xac: {  	s17 =	simm.s32 $0x800;
	s18 =	simm.s32 $0x100  }
.LBB2_5:
0xad: {  	p0 =	sne.s32 s17, $0x7C00;
	v2 =	vld [tilespmem:s18+$0x1A700];
	[tilespmem:s16+$0x1C7E0] =	vst v1  }
0xae: {  	v0 =	vld.idx.msk [tilespmem:v0+s4+$0x0], $0xffff;
	_ =	sdelay $0x5  }
0xaf: {  	v1 =	vld [tilespmem:s18+$0x1A710];
	[tilespmem:s16+$0x1C7F0] =	vst v0;
	s16 =	smov.u32 s18  }
0xb0: {  	v0 =	vld.idx.msk [tilespmem:v2+s4+$0x0], $0xffff;
	_ =	sdelay $0x5  }
0xb1: {  	[tilespmem:s16+$0x1C700] =	vst v0;
	v0 =	vld [tilespmem:s16+$0x1A720]  }
0xb2: {  	v1 =	vld.idx.msk [tilespmem:v1+s4+$0x0], $0xffff;
	_ =	sdelay $0x5  }
0xb3: {  	[tilespmem:s16+$0x1C710] =	vst v1;
	v1 =	vld [tilespmem:s16+$0x1A730]  }
0xb4: {  	v0 =	vld.idx.msk [tilespmem:v0+s4+$0x0], $0xffff;
	_ =	sdelay $0x5  }
0xb5: {  	[tilespmem:s16+$0x1C720] =	vst v0;
	v0 =	vld [tilespmem:s16+$0x1A740]  }
0xb6: {  	v1 =	vld.idx.msk [tilespmem:v1+s4+$0x0], $0xffff;
	_ =	sdelay $0x5  }
0xb7: {  	[tilespmem:s16+$0x1C730] =	vst v1;
	v1 =	vld [tilespmem:s16+$0x1A750]  }
0xb8: {  	v0 =	vld.idx.msk [tilespmem:v0+s4+$0x0], $0xffff;
	_ =	sdelay $0x5  }
0xb9: {  	[tilespmem:s16+$0x1C740] =	vst v0;
	v0 =	vld [tilespmem:s16+$0x1A760]  }
0xba: {  	v1 =	vld.idx.msk [tilespmem:v1+s4+$0x0], $0xffff;
	_ =	sdelay $0x5  }
0xbb: {  	[tilespmem:s16+$0x1C750] =	vst v1;
	v1 =	vld [tilespmem:s16+$0x1A770]  }
0xbc: {  	v0 =	vld.idx.msk [tilespmem:v0+s4+$0x0], $0xffff;
	_ =	sdelay $0x5  }
0xbd: {  	[tilespmem:s16+$0x1C760] =	vst v0;
	v0 =	vld [tilespmem:s16+$0x1A780]  }
0xbe: {  	v1 =	vld.idx.msk [tilespmem:v1+s4+$0x0], $0xffff;
	_ =	sdelay $0x5  }
0xbf: {  	[tilespmem:s16+$0x1C770] =	vst v1;
	v1 =	vld [tilespmem:s16+$0x1A790]  }
0xc0: {  	v0 =	vld.idx.msk [tilespmem:v0+s4+$0x0], $0xffff;
	_ =	sdelay $0x5  }
0xc1: {  	[tilespmem:s16+$0x1C780] =	vst v0;
	v0 =	vld [tilespmem:s16+$0x1A7A0]  }
0xc2: {  	v1 =	vld.idx.msk [tilespmem:v1+s4+$0x0], $0xffff;
	_ =	sdelay $0x5  }
0xc3: {  	[tilespmem:s16+$0x1C790] =	vst v1;
	v1 =	vld [tilespmem:s16+$0x1A7B0]  }
0xc4: {  	v0 =	vld.idx.msk [tilespmem:v0+s4+$0x0], $0xffff;
	_ =	sdelay $0x5  }
0xc5: {  	[tilespmem:s16+$0x1C7A0] =	vst v0;
	v0 =	vld [tilespmem:s16+$0x1A7C0]  }
0xc6: {  	v1 =	vld.idx.msk [tilespmem:v1+s4+$0x0], $0xffff;
	_ =	sdelay $0x5  }
0xc7: {  	[tilespmem:s16+$0x1C7B0] =	vst v1;
	v1 =	vld [tilespmem:s16+$0x1A7D0]  }
0xc8: {  	v0 =	vld.idx.msk [tilespmem:v0+s4+$0x0], $0xffff;
	_ =	sdelay $0x5  }
0xc9: {  	[tilespmem:s16+$0x1C7C0] =	vst v0;
	v2 =	vld [tilespmem:s16+$0x1A7E0]  }
0xca: {  	v0 =	vld.idx.msk [tilespmem:v1+s4+$0x0], $0xffff;
	_ =	sdelay $0x5  }
0xcb: {  	[tilespmem:s16+$0x1C7D0] =	vst v0;
	v0 =	vld [tilespmem:s16+$0x1A7F0]  }
0xcc: {  	v1 =	vld.idx.msk [tilespmem:v2+s4+$0x0], $0xffff  }
.Ltmp1:
0xcd: {  	(pc) =	sbr.rel @p0 .LBB2_5-.Ltmp1, $2  }
0xce: {  	_ =	sdelay $0x2  }
0xcf: {  	s18 =	sshra.s32 s17, $0x2;
	s17 =	sadd.s32 $0x400, s17  }
0xd0: {  	_ =	sdelay $0x1  }
0xd1: {  	v2 =	vld [tilespmem:s18+$0x1A700]  }
0xd2: {  	[tilespmem:s16+$0x1C7E0] =	vst v1  }
0xd3: {  	v0 =	vld.idx.msk [tilespmem:v0+s4+$0x0], $0xffff;
	_ =	sdelay $0x3  }
0xd4: {  	v1 =	vld [tilespmem:s18+$0x1A710]  }
0xd5: {  	[tilespmem:s16+$0x1C7F0] =	vst v0  }
0xd6: {  	v0 =	vld.idx.msk [tilespmem:v2+s4+$0x0], $0xffff;
	_ =	sdelay $0x3  }
0xd7: {  	v50 =	vld [tilespmem:s18+$0x1A720]  }
0xd8: {  	[tilespmem:s18+$0x1C700] =	vst v0  }
0xd9: {  	v1 =	vld.idx.msk [tilespmem:v1+s4+$0x0], $0xffff;
	_ =	sdelay $0x3  }
0xda: {  	v51 =	vld [tilespmem:s18+$0x1A730]  }
0xdb: {  	[tilespmem:s18+$0x1C710] =	vst v1  }
0xdc: {  	v0 =	vld.idx.msk [tilespmem:v50+s4+$0x0], $0xffff;
	_ =	sdelay $0x3  }
0xdd: {  	v52 =	vld [tilespmem:s18+$0x1A740]  }
0xde: {  	[tilespmem:s18+$0x1C720] =	vst v0  }
0xdf: {  	v1 =	vld.idx.msk [tilespmem:v51+s4+$0x0], $0xffff;
	_ =	sdelay $0x3  }
0xe0: {  	v53 =	vld [tilespmem:s18+$0x1A750]  }
0xe1: {  	[tilespmem:s18+$0x1C730] =	vst v1  }
0xe2: {  	v0 =	vld.idx.msk [tilespmem:v52+s4+$0x0], $0xffff;
	_ =	sdelay $0x3  }
0xe3: {  	v54 =	vld [tilespmem:s18+$0x1A760]  }
0xe4: {  	[tilespmem:s18+$0x1C740] =	vst v0  }
0xe5: {  	v1 =	vld.idx.msk [tilespmem:v53+s4+$0x0], $0xffff;
	_ =	sdelay $0x3  }
0xe6: {  	v55 =	vld [tilespmem:s18+$0x1A770]  }
0xe7: {  	[tilespmem:s18+$0x1C750] =	vst v1  }
0xe8: {  	v0 =	vld.idx.msk [tilespmem:v54+s4+$0x0], $0xffff;
	_ =	sdelay $0x3  }
0xe9: {  	v56 =	vld [tilespmem:s18+$0x1A780]  }
0xea: {  	[tilespmem:s18+$0x1C760] =	vst v0  }
0xeb: {  	v1 =	vld.idx.msk [tilespmem:v55+s4+$0x0], $0xffff;
	_ =	sdelay $0x3  }
0xec: {  	v57 =	vld [tilespmem:s18+$0x1A790]  }
0xed: {  	[tilespmem:s18+$0x1C770] =	vst v1  }
0xee: {  	v0 =	vld.idx.msk [tilespmem:v56+s4+$0x0], $0xffff;
	_ =	sdelay $0x3  }
0xef: {  	v58 =	vld [tilespmem:s18+$0x1A7A0]  }
0xf0: {  	[tilespmem:s18+$0x1C780] =	vst v0  }
0xf1: {  	v1 =	vld.idx.msk [tilespmem:v57+s4+$0x0], $0xffff;
	_ =	sdelay $0x3  }
0xf2: {  	v59 =	vld [tilespmem:s18+$0x1A7B0]  }
0xf3: {  	[tilespmem:s18+$0x1C790] =	vst v1  }
0xf4: {  	v0 =	vld.idx.msk [tilespmem:v58+s4+$0x0], $0xffff;
	_ =	sdelay $0x3  }
0xf5: {  	v60 =	vld [tilespmem:s18+$0x1A7C0]  }
0xf6: {  	[tilespmem:s18+$0x1C7A0] =	vst v0  }
0xf7: {  	v1 =	vld.idx.msk [tilespmem:v59+s4+$0x0], $0xffff;
	_ =	sdelay $0x3  }
0xf8: {  	v61 =	vld [tilespmem:s18+$0x1A7D0]  }
0xf9: {  	[tilespmem:s18+$0x1C7B0] =	vst v1  }
0xfa: {  	v0 =	vld.idx.msk [tilespmem:v60+s4+$0x0], $0xffff;
	_ =	sdelay $0x3  }
0xfb: {  	v62 =	vld [tilespmem:s18+$0x1A7E0]  }
0xfc: {  	[tilespmem:s18+$0x1C7C0] =	vst v0  }
0xfd: {  	v1 =	vld.idx.msk [tilespmem:v61+s4+$0x0], $0xffff;
	_ =	sdelay $0x3  }
0xfe: {  	v63 =	vld [tilespmem:s18+$0x1A7F0]  }
0xff: {  	[tilespmem:s18+$0x1C7D0] =	vst v1  }
0x100: {  	v0 =	vld.idx.msk [tilespmem:v62+s4+$0x0], $0xffff;
	_ =	sdelay $0x4  }
0x101: {  	[tilespmem:s18+$0x1C7E0] =	vst v0  }
0x102: {  	v0 =	vld.idx.msk [tilespmem:v63+s4+$0x0], $0xffff;
	_ =	sdelay $0x2  }
0x103: {  	s13 =	sadd.s32 $0x1, s13  }
0x104: {  	p0 =	sne.s32 s13, $0xD  }
.Ltmp2:
0x105: {  	s15 =	sadd.s32 $0x2000, s15;
	[tilespmem:s18+$0x1C7F0] =	vst v0;
	(pc) =	sbr.rel @p0 .LBB2_2-.Ltmp2, $4  }
0x106: {  	[hbm4b:s15+s8] =	stream.strided.scatter [tilespmem:s11], [sflag:$0x1], $0x2000, s9, s8, $0x38;
	[tilespmem:$0x1E700] =	vst v63  }
0x107: {  	_ =	swait.ge [sflag:s10], $0x2000  }
0x108: {  	[sflag:s10] =	ssyncset.done $0x0  }
0x109: {  	[sflag:s10] =	ssyncadd.s32 $0xFFFFE000  }
0x10a: {  	s12 =	sadd.s32 $0x1, s12  }
0x10b: {  	p0 =	sne.s32 s12, s7  }
.Ltmp3:
0x10c: {  	_ = 	snop;
	(pc) =	sbr.rel @p0 .LBB2_1-.Ltmp3, $1  }
0x10d: {  	_ =	sdelay $0x3  }
0x10e: {  	_ =	sfence.sel $0x180000  }
0x10f: {  	[bflag:$0x0] =	sbarrier.arrive $0xFFFF  }
0x110: {  	p0 =	sne.s32 s3, $0x0;
	_ =	strace $0x90000047  }
0x111: {  	s0 =	sadd.s32 @!p0 $0x100000, s0;
	[bflag:$0x2] =	sbarrier.arrive $0xFFFF  }
0x112: {  	[sflag:s0] =	ssyncadd.tile.s32 @!p0 $0x1;
	_ =	shalt  }
.Lfunc_end2:
_tile_overlayer_lowered:
.L_overlay_start_2:
0x113: {  	(tag) =	ssettag $0x2  }
0x114: {  	s0 =	rddreg [dreg:$0x0];
	s2 =	stileid.u32  }
0x115: {  	s1 =	rddreg [dreg:$0x1];
	p0 =	sne.s32 s2, $0x0  }
0x116: {  	s3 =	rddreg [dreg:$0x2];
	[bflag:$0x3] =	sbarrier.arrive $0xFFFF;
	s2 =	simm.s32 @!p0 $0x1C01  }
0x117: {  	[timem:s3], [sflag:s2] =	dma.local @!p0 [hbm:s0], s1  }
0x118: {  	s0 =	simm.s32 @!p0 $0x1  }
0x119: {  	_ =	swait.ge @!p0 [sflag:s0], s1  }
0x11a: {  	s1 =	ssub.s32 @!p0 $0x0, s1;
	[sflag:s0] =	ssyncset.done @!p0 $0x0  }
0x11b: {  	[sflag:s0] =	ssyncadd.s32 @!p0 s1  }
0x11c: {  	[bflag:$0x3] =	sbarrier.arrive $0xFFFF  }
0x11d: {  	_ =	shalt  }

</sc_bundles>
